<compile_context>
chip_gen: v7x
topology: tpu7x:2x2x1
jax: 0.10.2.dev20260603
libtpu: 0.0.44.dev20260713+nightly
codegen_flags: <defaults>
</compile_context>

<pallas_src>
import functools

import jax
import jax.numpy as jnp
from jax import lax
from jax.experimental import pallas as pl
from jax.experimental.pallas import tpu as pltpu
from jax.experimental.pallas import tpu_sc as plsc

N_TRAJ = 1024
T = 256
D_OBS = 128
N_ACT = 64
BATCH = 512
W = 64

NC, NS, L = 2, 16, 16
NW = NC * NS
BPW = BATCH // NW
ROWS_PW = BPW * W
CHUNK = 128
NCHUNK = ROWS_PW // CHUNK

_SCALAR_DTYPES = (jnp.int32, jnp.float32, jnp.int32, jnp.float32, jnp.float32,
                  jnp.float32)


def _sc_body(obs_hbm, a_hbm, r_hbm, d_hbm, g_hbm, v_hbm, w_hbm,
             idx_hbm, st_hbm,
             obs_out, a_out, r_out, d_out, g_out, v_out, w_out,
             iv, sv, hidx, idxb, ob0, ob1, rows, wins, so0, so1, sw0, sw1,
             srow):
    wid = lax.axis_index("s") * NC + lax.axis_index("c")
    b0 = wid * BPW

    pltpu.sync_copy(idx_hbm.at[pl.ds(b0, BPW)], iv)
    pltpu.sync_copy(st_hbm.at[pl.ds(b0, BPW)], sv)

    lane = lax.iota(jnp.int32, L)
    st_v = sv[...]
    ind_v = iv[...]
    plsc.store_scatter(hidx, [lane * 2], ind_v * 2)
    plsc.store_scatter(hidx, [lane * 2 + 1], ind_v * 2 + 1)
    row_cps = [pltpu.async_copy(f_hbm.at[hidx], rbuf, srow)
               for f_hbm, rbuf in zip((a_hbm, r_hbm, d_hbm, g_hbm, v_hbm,
                                       w_hbm), rows)]

    base = ind_v * T + st_v
    pbase = lane * W

    def build(j, c):
        p = pbase + j
        plsc.store_scatter(idxb, [p >> 7, p & (CHUNK - 1)], base + j)
        return c
    lax.fori_loop(0, W, build, 0)

    bufs = (ob0, ob1)

    def fire(k):
        i = k % 2
        return pltpu.async_copy(obs_hbm.at[idxb.at[k]], bufs[i],
                                (so0, so1)[i])

    writes = [None, None]
    cp = fire(0)
    for k in range(NCHUNK):
        cp_k = cp
        if k + 1 < NCHUNK:
            if writes[(k + 1) % 2] is not None:
                writes[(k + 1) % 2].wait()
            cp = fire(k + 1)
        cp_k.wait()
        w = pltpu.make_async_copy(
            bufs[k % 2],
            obs_out.at[pl.ds(wid * ROWS_PW + k * CHUNK, CHUNK)],
            (sw0, sw1)[k % 2])
        w.start()
        writes[k % 2] = w
    for w in writes:
        if w is not None:
            w.wait()

    for cp in row_cps:
        cp.wait()

    def extract(j, c):
        q = st_v + j
        srow_i = lane * 2 + (q >> 7)
        scol = q & 127
        p = pbase + j
        drow = p >> 7
        dcol = p & 127
        for rbuf, wbuf in zip(rows, wins):
            vals = plsc.load_gather(rbuf, [srow_i, scol])
            plsc.store_scatter(wbuf, [drow, dcol], vals)
        return c
    lax.fori_loop(0, W, extract, 0)

    for wbuf, obuf in zip(wins, (a_out, r_out, d_out, g_out, v_out, w_out)):
        pltpu.sync_copy(wbuf, obuf.at[pl.ds(wid * 8, 8)])


APG = 32


def _ap_tc_body(idx_ref, st_ref, *refs):
    out_ref = refs[-1]
    g = pl.program_id(0)
    ti = lax.broadcasted_iota(jnp.int32, (T, W), 0)
    ji = lax.broadcasted_iota(jnp.int32, (T, W), 1)
    for i in range(APG):
        s = st_ref[g * APG + i]
        sel = (ti == ji + s).astype(jnp.float32)
        out_ref[i] = lax.dot_general(refs[i][0], sel,
                                     (((1,), (0,)), ((), ())),
                                     preferred_element_type=jnp.float32)


@jax.jit
def _sample(obs2d, ap_t, action, reward, done_i, returns, value, weight,
            indices, starts):
    mesh = plsc.VectorSubcoreMesh(core_axis_name="c", subcore_axis_name="s")
    out_type = [
        jax.ShapeDtypeStruct((BATCH * W, D_OBS), jnp.float32),
    ] + [jax.ShapeDtypeStruct((BATCH * W // 128, 128), dt)
         for dt in _SCALAR_DTYPES]
    scratch = [
        pltpu.VMEM((BPW,), jnp.int32),
        pltpu.VMEM((BPW,), jnp.int32),
        pltpu.VMEM((2 * BPW,), jnp.int32),
        pltpu.VMEM((NCHUNK, CHUNK), jnp.int32),
        pltpu.VMEM((CHUNK, D_OBS), jnp.float32),
        pltpu.VMEM((CHUNK, D_OBS), jnp.float32),
        [pltpu.VMEM((2 * BPW, 128), dt) for dt in _SCALAR_DTYPES],
        [pltpu.VMEM((BPW * W // 128, 128), dt)
         for dt in _SCALAR_DTYPES],
        pltpu.SemaphoreType.DMA,
        pltpu.SemaphoreType.DMA,
        pltpu.SemaphoreType.DMA,
        pltpu.SemaphoreType.DMA,
        pltpu.SemaphoreType.DMA,
    ]
    sc_k = pl.kernel(_sc_body, out_type=out_type, mesh=mesh,
                     scratch_types=scratch,
                     compiler_params=pltpu.CompilerParams(
                         needs_layout_passes=False,
                         use_tc_tiling_on_sc=False))
    obs_o, a_o, r_o, d_o, g_o, v_o, w_o = sc_k(
        obs2d, action, reward, done_i, returns, value, weight,
        indices, starts)

    ap_o = pl.pallas_call(
        _ap_tc_body,
        grid_spec=pltpu.PrefetchScalarGridSpec(
            num_scalar_prefetch=2,
            grid=(BATCH // APG,),
            in_specs=[pl.BlockSpec((1, N_ACT, T),
                                   lambda g, idx, st, i=i: (idx[g * APG + i],
                                                            0, 0))
                      for i in range(APG)],
            out_specs=pl.BlockSpec((APG, N_ACT, W),
                                   lambda g, idx, st: (g, 0, 0)),
        ),
        out_shape=jax.ShapeDtypeStruct((BATCH, N_ACT, W), jnp.float32),
    )(indices, starts, *([ap_t] * APG))

    return obs_o, ap_o, a_o, r_o, d_o, g_o, v_o, w_o


def kernel(obs, action, reward, done, returns, value, action_probs, weight,
           indices, starts, steps):
    starts = (starts + (steps - W)).astype(jnp.int32)
    indices = indices.astype(jnp.int32)
    obs2d = obs.reshape(N_TRAJ * T, D_OBS)
    ap_t = jnp.transpose(action_probs, (0, 2, 1))
    done_i = done.astype(jnp.int32)
    w128 = (N_TRAJ * T // 128, 128)
    (obs_o, ap_o, a_o, r_o, d_o, g_o, v_o, w_o) = _sample(
        obs2d, ap_t, action.reshape(w128), reward.reshape(w128),
        done_i.reshape(w128), returns.reshape(w128), value.reshape(w128),
        weight.reshape(w128), indices, starts)
    bw = (BATCH, W)
    return (obs_o.reshape(BATCH, W, D_OBS), a_o.reshape(bw), r_o.reshape(bw),
            d_o.reshape(bw).astype(jnp.bool_), g_o.reshape(bw),
            v_o.reshape(bw), jnp.transpose(ap_o, (0, 2, 1)),
            w_o.reshape(bw))

# --- scband reference (transcript-rebuilt; emitter-appended) ---
"""Pipeline reference for scband-buffer-58832462020767 (READ-ONLY COPY).

The authoritative reference and input builder live on the scoring server;
editing this copy changes nothing except your own understanding.
"""

import jax, jax.numpy as jnp
import numpy as np

N_TRAJ = 1024
T = 256
D_OBS = 128
N_ACT = 64
BATCH = 512
STEPS = 64


def setup_inputs(seed: int = 0) -> dict:
    key = jax.random.key(seed)
    ks = jax.random.split(key, 10)
    obs = jax.random.normal(ks[0], (N_TRAJ, T, D_OBS), dtype=jnp.float32)
    action = jax.random.randint(ks[1], (N_TRAJ, T), 0, N_ACT).astype(jnp.int32)
    reward = jax.random.normal(ks[2], (N_TRAJ, T), dtype=jnp.float32)
    done = jnp.zeros((N_TRAJ, T), dtype=bool)
    returns = jax.random.normal(ks[3], (N_TRAJ, T), dtype=jnp.float32)
    value = jax.random.normal(ks[4], (N_TRAJ, T), dtype=jnp.float32)
    action_probs = jax.nn.softmax(jax.random.normal(ks[5], (N_TRAJ, T, N_ACT), dtype=jnp.float32), axis=-1)
    weight = jax.random.uniform(ks[6], (N_TRAJ, T), dtype=jnp.float32)
    # precomputed randomness equivalent to jr.choice over len(storage) and jr.randint starts
    indices = jax.random.randint(ks[7], (BATCH,), 0, N_TRAJ)
    starts = jax.random.randint(ks[8], (BATCH,), 0, T - STEPS + 1)
    return {
        'obs': obs, 'action': action, 'reward': reward, 'done': done,
        'returns': returns, 'value': value, 'action_probs': action_probs,
        'weight': weight, 'indices': indices, 'starts': starts, 'steps': STEPS,
    }


def reference(obs, action, reward, done, returns, value, action_probs, weight, indices, starts, steps):
    # Buffer.sample: gather trajectories by sampled indices, then slice a random
    # window of length `steps` from each, and stack -> Transition of batched fields.
    starts = starts + (steps - STEPS)

    def gather_slice(arr):
        sel = jnp.take(arr, indices, axis=0)  # [BATCH, T, ...]
        return jax.vmap(lambda traj, s: jax.lax.dynamic_slice_in_dim(traj, s, STEPS, axis=0))(sel, starts)
    fields = (obs, action, reward, done, returns, value, action_probs, weight)
    return tuple(gather_slice(a) for a in fields)

if __name__ == "__main__":
    import jax
    _d = setup_inputs()
    print(jax.jit(kernel)(*tuple(_d.values())))

</pallas_src>

<mosaic_0001>
#map = affine_map<(d0, d1) -> (0, 0)>
#map1 = affine_map<(d0, d1) -> (0)>
module attributes {stable_mosaic.version = 14 : i64} {
  func.func @_sc_body(%arg0: i32, %arg1: i32, %arg2: memref<262144x128xf32, #tpu.memory_space<hbm>>, %arg3: memref<2048x128xi32, #tpu.memory_space<hbm>>, %arg4: memref<2048x128xf32, #tpu.memory_space<hbm>>, %arg5: memref<2048x128xi32, #tpu.memory_space<hbm>>, %arg6: memref<2048x128xf32, #tpu.memory_space<hbm>>, %arg7: memref<2048x128xf32, #tpu.memory_space<hbm>>, %arg8: memref<2048x128xf32, #tpu.memory_space<hbm>>, %arg9: memref<512xi32, #tpu.memory_space<hbm>>, %arg10: memref<512xi32, #tpu.memory_space<hbm>>, %arg11: memref<32768x128xf32, #tpu.memory_space<hbm>>, %arg12: memref<256x128xi32, #tpu.memory_space<hbm>>, %arg13: memref<256x128xf32, #tpu.memory_space<hbm>>, %arg14: memref<256x128xi32, #tpu.memory_space<hbm>>, %arg15: memref<256x128xf32, #tpu.memory_space<hbm>>, %arg16: memref<256x128xf32, #tpu.memory_space<hbm>>, %arg17: memref<256x128xf32, #tpu.memory_space<hbm>>, %arg18: memref<16xi32, #tpu.memory_space<vmem>>, %arg19: memref<16xi32, #tpu.memory_space<vmem>>, %arg20: memref<32xi32, #tpu.memory_space<vmem>>, %arg21: memref<8x128xi32, #tpu.memory_space<vmem>>, %arg22: memref<128x128xf32, #tpu.memory_space<vmem>>, %arg23: memref<128x128xf32, #tpu.memory_space<vmem>>, %arg24: memref<32x128xi32, #tpu.memory_space<vmem>>, %arg25: memref<32x128xf32, #tpu.memory_space<vmem>>, %arg26: memref<32x128xi32, #tpu.memory_space<vmem>>, %arg27: memref<32x128xf32, #tpu.memory_space<vmem>>, %arg28: memref<32x128xf32, #tpu.memory_space<vmem>>, %arg29: memref<32x128xf32, #tpu.memory_space<vmem>>, %arg30: memref<8x128xi32, #tpu.memory_space<vmem>>, %arg31: memref<8x128xf32, #tpu.memory_space<vmem>>, %arg32: memref<8x128xi32, #tpu.memory_space<vmem>>, %arg33: memref<8x128xf32, #tpu.memory_space<vmem>>, %arg34: memref<8x128xf32, #tpu.memory_space<vmem>>, %arg35: memref<8x128xf32, #tpu.memory_space<vmem>>, %arg36: memref<!tpu.dma_semaphore, #tpu.memory_space<semaphore_mem>>, %arg37: memref<!tpu.dma_semaphore, #tpu.memory_space<semaphore_mem>>, %arg38: memref<!tpu.dma_semaphore, #tpu.memory_space<semaphore_mem>>, %arg39: memref<!tpu.dma_semaphore, #tpu.memory_space<semaphore_mem>>, %arg40: memref<!tpu.dma_semaphore, #tpu.memory_space<semaphore_mem>>) attributes {dimension_semantics = [#tpu.dimension_semantics<core_parallel>, #tpu.dimension_semantics<subcore_parallel>], iteration_bounds = array<i64: 2, 16>, scalar_prefetch = 0 : i64, scratch_operands = 23 : i64, tpu.core_type = #tpu.core_type<sc_vector_subcore>, window_params = [{transform_indices = #map}, {transform_indices = #map}, {transform_indices = #map}, {transform_indices = #map}, {transform_indices = #map}, {transform_indices = #map}, {transform_indices = #map}, {transform_indices = #map1}, {transform_indices = #map1}, {transform_indices = #map}, {transform_indices = #map}, {transform_indices = #map}, {transform_indices = #map}, {transform_indices = #map}, {transform_indices = #map}, {transform_indices = #map}]} {
    %mul3A = arith.constant 2 : i32
    %mul3A_0 = arith.muli %arg1, %mul3A : i32
    %add3A = arith.addi %mul3A_0, %arg0 : i32
    %mul3A_1 = arith.constant 16 : i32
    %mul3A_2 = arith.muli %add3A, %mul3A_1 : i32
    "tpu.region"() ({
      %run_scoped3A = tpu.sem_alloc : memref<!tpu.dma_semaphore, #tpu.memory_space<semaphore_mem>>
      %dma_start3A_296 = tpu.memref_slice %arg9[%mul3A_2] : memref<512xi32, #tpu.memory_space<hbm>> -> memref<16xi32, #tpu.memory_space<hbm>>
      %dma_start3A_297 = tpu.memref_slice %arg9[%mul3A_2] : memref<512xi32, #tpu.memory_space<hbm>> -> memref<16xi32, #tpu.memory_space<hbm>>
      tpu.enqueue_dma source(%dma_start3A_297 : memref<16xi32, #tpu.memory_space<hbm>>) target(%arg18 : memref<16xi32, #tpu.memory_space<vmem>>) target_semaphore(%run_scoped3A : memref<!tpu.dma_semaphore, #tpu.memory_space<semaphore_mem>>)
      %dma_wait3A_298 = tpu.memref_slice %arg9[%mul3A_2] : memref<512xi32, #tpu.memory_space<hbm>> -> memref<16xi32, #tpu.memory_space<hbm>>
      %dma_wait3A_299 = tpu.memref_slice %arg9[%mul3A_2] : memref<512xi32, #tpu.memory_space<hbm>> -> memref<16xi32, #tpu.memory_space<hbm>>
      tpu.wait_dma2 semaphore(%run_scoped3A : memref<!tpu.dma_semaphore, #tpu.memory_space<semaphore_mem>>) src(%dma_wait3A_299 : memref<16xi32, #tpu.memory_space<hbm>>) dst(%arg18 : memref<16xi32, #tpu.memory_space<vmem>>)
      tpu.yield
    }) : () -> ()
    "tpu.region"() ({
      %run_scoped3A = tpu.sem_alloc : memref<!tpu.dma_semaphore, #tpu.memory_space<semaphore_mem>>
      %dma_start3A_296 = tpu.memref_slice %arg10[%mul3A_2] : memref<512xi32, #tpu.memory_space<hbm>> -> memref<16xi32, #tpu.memory_space<hbm>>
      %dma_start3A_297 = tpu.memref_slice %arg10[%mul3A_2] : memref<512xi32, #tpu.memory_space<hbm>> -> memref<16xi32, #tpu.memory_space<hbm>>
      tpu.enqueue_dma source(%dma_start3A_297 : memref<16xi32, #tpu.memory_space<hbm>>) target(%arg19 : memref<16xi32, #tpu.memory_space<vmem>>) target_semaphore(%run_scoped3A : memref<!tpu.dma_semaphore, #tpu.memory_space<semaphore_mem>>)
      %dma_wait3A_298 = tpu.memref_slice %arg10[%mul3A_2] : memref<512xi32, #tpu.memory_space<hbm>> -> memref<16xi32, #tpu.memory_space<hbm>>
      %dma_wait3A_299 = tpu.memref_slice %arg10[%mul3A_2] : memref<512xi32, #tpu.memory_space<hbm>> -> memref<16xi32, #tpu.memory_space<hbm>>
      tpu.wait_dma2 semaphore(%run_scoped3A : memref<!tpu.dma_semaphore, #tpu.memory_space<semaphore_mem>>) src(%dma_wait3A_299 : memref<16xi32, #tpu.memory_space<hbm>>) dst(%arg19 : memref<16xi32, #tpu.memory_space<vmem>>)
      tpu.yield
    }) : () -> ()
    %iota3A = tpu.iota {dimensions = array<i32: 0>} : vector<16xi32>
    %get3A = arith.constant 0 : index
    %get3A_3 = tpu.vector_load %arg19[%get3A] {strides = array<i32>} : memref<16xi32, #tpu.memory_space<vmem>>, vector<16xi32>,
    %get3A_4 = arith.constant 0 : index
    %get3A_5 = tpu.vector_load %arg18[%get3A_4] {strides = array<i32>} : memref<16xi32, #tpu.memory_space<vmem>>, vector<16xi32>,
    %mul3A_6 = arith.constant 2 : i32
    %mul3A_7 = vector.broadcast %mul3A_6 : i32 to vector<16xi32>
    %mul3A_8 = arith.muli %iota3A, %mul3A_7 : vector<16xi32>
    %mul3A_9 = arith.constant 2 : i32
    %mul3A_10 = vector.broadcast %mul3A_9 : i32 to vector<16xi32>
    %mul3A_11 = arith.muli %get3A_5, %mul3A_10 : vector<16xi32>
    tpu.vector_store_idx %arg20[%mul3A_8], %mul3A_11 : memref<32xi32, #tpu.memory_space<vmem>>[vector<16xi32>], vector<16xi32>,
    %mul3A_12 = arith.constant 2 : i32
    %mul3A_13 = vector.broadcast %mul3A_12 : i32 to vector<16xi32>
    %mul3A_14 = arith.muli %iota3A, %mul3A_13 : vector<16xi32>
    %add3A_15 = arith.constant 1 : i32
    %add3A_16 = vector.broadcast %add3A_15 : i32 to vector<16xi32>
    %add3A_17 = arith.addi %mul3A_14, %add3A_16 : vector<16xi32>
    %mul3A_18 = arith.constant 2 : i32
    %mul3A_19 = vector.broadcast %mul3A_18 : i32 to vector<16xi32>
    %mul3A_20 = arith.muli %get3A_5, %mul3A_19 : vector<16xi32>
    %add3A_21 = arith.constant 1 : i32
    %add3A_22 = vector.broadcast %add3A_21 : i32 to vector<16xi32>
    %add3A_23 = arith.addi %mul3A_20, %add3A_22 : vector<16xi32>
    tpu.vector_store_idx %arg20[%add3A_17], %add3A_23 : memref<32xi32, #tpu.memory_space<vmem>>[vector<16xi32>], vector<16xi32>,
    %dma_start3A = arith.constant 0 : i32
    %dma_start3A_24 = arith.constant 0 : i32
    %dma_start3A_25 = tpu.memref_slice %arg3[%dma_start3A, %dma_start3A_24] : memref<2048x128xi32, #tpu.memory_space<hbm>> -> memref<2048x128xi32, #tpu.memory_space<hbm>>
    tpu.enqueue_indirect_dma source(%dma_start3A_25 : memref<2048x128xi32, #tpu.memory_space<hbm>>) target(%arg24 : memref<32x128xi32, #tpu.memory_space<vmem>>) offsets(%arg20 : memref<32xi32, #tpu.memory_space<vmem>>) semaphore(%arg40 : memref<!tpu.dma_semaphore, #tpu.memory_space<semaphore_mem>>)
    %dma_start3A_26 = arith.constant 0 : i32
    %dma_start3A_27 = arith.constant 0 : i32
    %dma_start3A_28 = tpu.memref_slice %arg4[%dma_start3A_26, %dma_start3A_27] : memref<2048x128xf32, #tpu.memory_space<hbm>> -> memref<2048x128xf32, #tpu.memory_space<hbm>>
    tpu.enqueue_indirect_dma source(%dma_start3A_28 : memref<2048x128xf32, #tpu.memory_space<hbm>>) target(%arg25 : memref<32x128xf32, #tpu.memory_space<vmem>>) offsets(%arg20 : memref<32xi32, #tpu.memory_space<vmem>>) semaphore(%arg40 : memref<!tpu.dma_semaphore, #tpu.memory_space<semaphore_mem>>)
    %dma_start3A_29 = arith.constant 0 : i32
    %dma_start3A_30 = arith.constant 0 : i32
    %dma_start3A_31 = tpu.memref_slice %arg5[%dma_start3A_29, %dma_start3A_30] : memref<2048x128xi32, #tpu.memory_space<hbm>> -> memref<2048x128xi32, #tpu.memory_space<hbm>>
    tpu.enqueue_indirect_dma source(%dma_start3A_31 : memref<2048x128xi32, #tpu.memory_space<hbm>>) target(%arg26 : memref<32x128xi32, #tpu.memory_space<vmem>>) offsets(%arg20 : memref<32xi32, #tpu.memory_space<vmem>>) semaphore(%arg40 : memref<!tpu.dma_semaphore, #tpu.memory_space<semaphore_mem>>)
    %dma_start3A_32 = arith.constant 0 : i32
    %dma_start3A_33 = arith.constant 0 : i32
    %dma_start3A_34 = tpu.memref_slice %arg6[%dma_start3A_32, %dma_start3A_33] : memref<2048x128xf32, #tpu.memory_space<hbm>> -> memref<2048x128xf32, #tpu.memory_space<hbm>>
    tpu.enqueue_indirect_dma source(%dma_start3A_34 : memref<2048x128xf32, #tpu.memory_space<hbm>>) target(%arg27 : memref<32x128xf32, #tpu.memory_space<vmem>>) offsets(%arg20 : memref<32xi32, #tpu.memory_space<vmem>>) semaphore(%arg40 : memref<!tpu.dma_semaphore, #tpu.memory_space<semaphore_mem>>)
    %dma_start3A_35 = arith.constant 0 : i32
    %dma_start3A_36 = arith.constant 0 : i32
    %dma_start3A_37 = tpu.memref_slice %arg7[%dma_start3A_35, %dma_start3A_36] : memref<2048x128xf32, #tpu.memory_space<hbm>> -> memref<2048x128xf32, #tpu.memory_space<hbm>>
    tpu.enqueue_indirect_dma source(%dma_start3A_37 : memref<2048x128xf32, #tpu.memory_space<hbm>>) target(%arg28 : memref<32x128xf32, #tpu.memory_space<vmem>>) offsets(%arg20 : memref<32xi32, #tpu.memory_space<vmem>>) semaphore(%arg40 : memref<!tpu.dma_semaphore, #tpu.memory_space<semaphore_mem>>)
    %dma_start3A_38 = arith.constant 0 : i32
    %dma_start3A_39 = arith.constant 0 : i32
    %dma_start3A_40 = tpu.memref_slice %arg8[%dma_start3A_38, %dma_start3A_39] : memref<2048x128xf32, #tpu.memory_space<hbm>> -> memref<2048x128xf32, #tpu.memory_space<hbm>>
    tpu.enqueue_indirect_dma source(%dma_start3A_40 : memref<2048x128xf32, #tpu.memory_space<hbm>>) target(%arg29 : memref<32x128xf32, #tpu.memory_space<vmem>>) offsets(%arg20 : memref<32xi32, #tpu.memory_space<vmem>>) semaphore(%arg40 : memref<!tpu.dma_semaphore, #tpu.memory_space<semaphore_mem>>)
    %mul3A_41 = arith.constant 256 : i32
    %mul3A_42 = vector.broadcast %mul3A_41 : i32 to vector<16xi32>
    %mul3A_43 = arith.muli %get3A_5, %mul3A_42 : vector<16xi32>
    %add3A_44 = arith.addi %mul3A_43, %get3A_3 : vector<16xi32>
    %mul3A_45 = arith.constant 64 : i32
    %mul3A_46 = vector.broadcast %mul3A_45 : i32 to vector<16xi32>
    %mul3A_47 = arith.muli %iota3A, %mul3A_46 : vector<16xi32>
    %scan3A = arith.constant 0 : i32
    %scan3A_48 = arith.constant 0 : i32
    %scan3A_49 = arith.constant 64 : i32
    %scan3A_50 = arith.addi %scan3A_48, %scan3A_49 : i32
    %scan3A_51 = arith.constant 1 : i32
    scf.for %scan3A_296 = %scan3A_48 to %scan3A_50 step %scan3A_51  : i32 {
      %add3A_297 = vector.broadcast %scan3A_296 : i32 to vector<16xi32>
      %add3A_298 = arith.addi %mul3A_47, %add3A_297 : vector<16xi32>
      %shift_right_arithmetic3A = arith.constant 7 : i32
      %shift_right_arithmetic3A_299 = vector.broadcast %shift_right_arithmetic3A : i32 to vector<16xi32>
      %shift_right_arithmetic3A_300 = arith.shrsi %add3A_298, %shift_right_arithmetic3A_299 : vector<16xi32>
      %and3A = arith.constant 127 : i32
      %and3A_301 = vector.broadcast %and3A : i32 to vector<16xi32>
      %and3A_302 = arith.andi %add3A_298, %and3A_301 : vector<16xi32>
      %add3A_303 = vector.broadcast %scan3A_296 : i32 to vector<16xi32>
      %add3A_304 = arith.addi %add3A_44, %add3A_303 : vector<16xi32>
      tpu.vector_store_idx %arg21[%shift_right_arithmetic3A_300, %and3A_302], %add3A_304 : memref<8x128xi32, #tpu.memory_space<vmem>>[vector<16xi32>, vector<16xi32>], vector<16xi32>,
    }
    %scan3A_52 = arith.constant 64 : i32
    %dma_start3A_53 = arith.constant 0 : i32
    %dma_start3A_54 = arith.constant 0 : i32
    %dma_start3A_55 = tpu.memref_slice %arg21[%dma_start3A_53, %dma_start3A_54] : memref<8x128xi32, #tpu.memory_space<vmem>> -> memref<1x128xi32, #tpu.memory_space<vmem>>
    %dma_start3A_56 = tpu.memref_squeeze %dma_start3A_55 : memref<1x128xi32, #tpu.memory_space<vmem>> -> memref<128xi32, #tpu.memory_space<vmem>>
    %dma_start3A_57 = arith.constant 0 : i32
    %dma_start3A_58 = arith.constant 0 : i32
    %dma_start3A_59 = tpu.memref_slice %arg2[%dma_start3A_57, %dma_start3A_58] : memref<262144x128xf32, #tpu.memory_space<hbm>> -> memref<262144x128xf32, #tpu.memory_space<hbm>>
    tpu.enqueue_indirect_dma source(%dma_start3A_59 : memref<262144x128xf32, #tpu.memory_space<hbm>>) target(%arg22 : memref<128x128xf32, #tpu.memory_space<vmem>>) offsets(%dma_start3A_56 : memref<128xi32, #tpu.memory_space<vmem>>) semaphore(%arg36 : memref<!tpu.dma_semaphore, #tpu.memory_space<semaphore_mem>>)
    %dma_start3A_60 = arith.constant 1 : i32
    %dma_start3A_61 = arith.constant 0 : i32
    %dma_start3A_62 = tpu.memref_slice %arg21[%dma_start3A_60, %dma_start3A_61] : memref<8x128xi32, #tpu.memory_space<vmem>> -> memref<1x128xi32, #tpu.memory_space<vmem>>
    %dma_start3A_63 = tpu.memref_squeeze %dma_start3A_62 : memref<1x128xi32, #tpu.memory_space<vmem>> -> memref<128xi32, #tpu.memory_space<vmem>>
    %dma_start3A_64 = arith.constant 0 : i32
    %dma_start3A_65 = arith.constant 0 : i32
    %dma_start3A_66 = tpu.memref_slice %arg2[%dma_start3A_64, %dma_start3A_65] : memref<262144x128xf32, #tpu.memory_space<hbm>> -> memref<262144x128xf32, #tpu.memory_space<hbm>>
    tpu.enqueue_indirect_dma source(%dma_start3A_66 : memref<262144x128xf32, #tpu.memory_space<hbm>>) target(%arg23 : memref<128x128xf32, #tpu.memory_space<vmem>>) offsets(%dma_start3A_63 : memref<128xi32, #tpu.memory_space<vmem>>) semaphore(%arg37 : memref<!tpu.dma_semaphore, #tpu.memory_space<semaphore_mem>>)
    %dma_wait3A = arith.constant 0 : i32
    %dma_wait3A_67 = arith.constant 0 : i32
    %dma_wait3A_68 = tpu.memref_slice %arg21[%dma_wait3A, %dma_wait3A_67] : memref<8x128xi32, #tpu.memory_space<vmem>> -> memref<1x128xi32, #tpu.memory_space<vmem>>
    %dma_wait3A_69 = tpu.memref_squeeze %dma_wait3A_68 : memref<1x128xi32, #tpu.memory_space<vmem>> -> memref<128xi32, #tpu.memory_space<vmem>>
    %dma_wait3A_70 = arith.constant 0 : i32
    %dma_wait3A_71 = arith.constant 0 : i32
    %dma_wait3A_72 = tpu.memref_slice %arg2[%dma_wait3A_70, %dma_wait3A_71] : memref<262144x128xf32, #tpu.memory_space<hbm>> -> memref<262144x128xf32, #tpu.memory_space<hbm>>
    tpu.wait_indirect_dma semaphore(%arg36 : memref<!tpu.dma_semaphore, #tpu.memory_space<semaphore_mem>>) src(%dma_wait3A_72 : memref<262144x128xf32, #tpu.memory_space<hbm>>) dst(%arg22 : memref<128x128xf32, #tpu.memory_space<vmem>>)
    %mul3A_73 = arith.constant 1024 : i32
    %mul3A_74 = arith.muli %add3A, %mul3A_73 : i32
    %add3A_75 = arith.constant 0 : i32
    %add3A_76 = arith.addi %mul3A_74, %add3A_75 : i32
    %dma_start3A_77 = arith.constant 0 : i32
    %dma_start3A_78 = tpu.memref_slice %arg11[%add3A_76, %dma_start3A_77] : memref<32768x128xf32, #tpu.memory_space<hbm>> -> memref<128x128xf32, #tpu.memory_space<hbm>>
    %dma_start3A_79 = arith.constant 0 : i32
    %dma_start3A_80 = tpu.memref_slice %arg11[%add3A_76, %dma_start3A_79] : memref<32768x128xf32, #tpu.memory_space<hbm>> -> memref<128x128xf32, #tpu.memory_space<hbm>>
    tpu.enqueue_dma source(%arg22 : memref<128x128xf32, #tpu.memory_space<vmem>>) target(%dma_start3A_80 : memref<128x128xf32, #tpu.memory_space<hbm>>) target_semaphore(%arg38 : memref<!tpu.dma_semaphore, #tpu.memory_space<semaphore_mem>>)
    %dma_wait3A_81 = arith.constant 0 : i32
    %dma_wait3A_82 = tpu.memref_slice %arg11[%add3A_76, %dma_wait3A_81] : memref<32768x128xf32, #tpu.memory_space<hbm>> -> memref<128x128xf32, #tpu.memory_space<hbm>>
    %dma_wait3A_83 = arith.constant 0 : i32
    %dma_wait3A_84 = tpu.memref_slice %arg11[%add3A_76, %dma_wait3A_83] : memref<32768x128xf32, #tpu.memory_space<hbm>> -> memref<128x128xf32, #tpu.memory_space<hbm>>
    tpu.wait_dma2 semaphore(%arg38 : memref<!tpu.dma_semaphore, #tpu.memory_space<semaphore_mem>>) src(%arg22 : memref<128x128xf32, #tpu.memory_space<vmem>>) dst(%dma_wait3A_84 : memref<128x128xf32, #tpu.memory_space<hbm>>)
    %dma_start3A_85 = arith.constant 2 : i32
    %dma_start3A_86 = arith.constant 0 : i32
    %dma_start3A_87 = tpu.memref_slice %arg21[%dma_start3A_85, %dma_start3A_86] : memref<8x128xi32, #tpu.memory_space<vmem>> -> memref<1x128xi32, #tpu.memory_space<vmem>>
    %dma_start3A_88 = tpu.memref_squeeze %dma_start3A_87 : memref<1x128xi32, #tpu.memory_space<vmem>> -> memref<128xi32, #tpu.memory_space<vmem>>
    %dma_start3A_89 = arith.constant 0 : i32
    %dma_start3A_90 = arith.constant 0 : i32
    %dma_start3A_91 = tpu.memref_slice %arg2[%dma_start3A_89, %dma_start3A_90] : memref<262144x128xf32, #tpu.memory_space<hbm>> -> memref<262144x128xf32, #tpu.memory_space<hbm>>
    tpu.enqueue_indirect_dma source(%dma_start3A_91 : memref<262144x128xf32, #tpu.memory_space<hbm>>) target(%arg22 : memref<128x128xf32, #tpu.memory_space<vmem>>) offsets(%dma_start3A_88 : memref<128xi32, #tpu.memory_space<vmem>>) semaphore(%arg36 : memref<!tpu.dma_semaphore, #tpu.memory_space<semaphore_mem>>)
    %dma_wait3A_92 = arith.constant 1 : i32
    %dma_wait3A_93 = arith.constant 0 : i32
    %dma_wait3A_94 = tpu.memref_slice %arg21[%dma_wait3A_92, %dma_wait3A_93] : memref<8x128xi32, #tpu.memory_space<vmem>> -> memref<1x128xi32, #tpu.memory_space<vmem>>
    %dma_wait3A_95 = tpu.memref_squeeze %dma_wait3A_94 : memref<1x128xi32, #tpu.memory_space<vmem>> -> memref<128xi32, #tpu.memory_space<vmem>>
    %dma_wait3A_96 = arith.constant 0 : i32
    %dma_wait3A_97 = arith.constant 0 : i32
    %dma_wait3A_98 = tpu.memref_slice %arg2[%dma_wait3A_96, %dma_wait3A_97] : memref<262144x128xf32, #tpu.memory_space<hbm>> -> memref<262144x128xf32, #tpu.memory_space<hbm>>
    tpu.wait_indirect_dma semaphore(%arg37 : memref<!tpu.dma_semaphore, #tpu.memory_space<semaphore_mem>>) src(%dma_wait3A_98 : memref<262144x128xf32, #tpu.memory_space<hbm>>) dst(%arg23 : memref<128x128xf32, #tpu.memory_space<vmem>>)
    %mul3A_99 = arith.constant 1024 : i32
    %mul3A_100 = arith.muli %add3A, %mul3A_99 : i32
    %add3A_101 = arith.constant 128 : i32
    %add3A_102 = arith.addi %mul3A_100, %add3A_101 : i32
    %dma_start3A_103 = arith.constant 0 : i32
    %dma_start3A_104 = tpu.memref_slice %arg11[%add3A_102, %dma_start3A_103] : memref<32768x128xf32, #tpu.memory_space<hbm>> -> memref<128x128xf32, #tpu.memory_space<hbm>>
    %dma_start3A_105 = arith.constant 0 : i32
    %dma_start3A_106 = tpu.memref_slice %arg11[%add3A_102, %dma_start3A_105] : memref<32768x128xf32, #tpu.memory_space<hbm>> -> memref<128x128xf32, #tpu.memory_space<hbm>>
    tpu.enqueue_dma source(%arg23 : memref<128x128xf32, #tpu.memory_space<vmem>>) target(%dma_start3A_106 : memref<128x128xf32, #tpu.memory_space<hbm>>) target_semaphore(%arg39 : memref<!tpu.dma_semaphore, #tpu.memory_space<semaphore_mem>>)
    %dma_wait3A_107 = arith.constant 0 : i32
    %dma_wait3A_108 = tpu.memref_slice %arg11[%add3A_102, %dma_wait3A_107] : memref<32768x128xf32, #tpu.memory_space<hbm>> -> memref<128x128xf32, #tpu.memory_space<hbm>>
    %dma_wait3A_109 = arith.constant 0 : i32
    %dma_wait3A_110 = tpu.memref_slice %arg11[%add3A_102, %dma_wait3A_109] : memref<32768x128xf32, #tpu.memory_space<hbm>> -> memref<128x128xf32, #tpu.memory_space<hbm>>
    tpu.wait_dma2 semaphore(%arg39 : memref<!tpu.dma_semaphore, #tpu.memory_space<semaphore_mem>>) src(%arg23 : memref<128x128xf32, #tpu.memory_space<vmem>>) dst(%dma_wait3A_110 : memref<128x128xf32, #tpu.memory_space<hbm>>)
    %dma_start3A_111 = arith.constant 3 : i32
    %dma_start3A_112 = arith.constant 0 : i32
    %dma_start3A_113 = tpu.memref_slice %arg21[%dma_start3A_111, %dma_start3A_112] : memref<8x128xi32, #tpu.memory_space<vmem>> -> memref<1x128xi32, #tpu.memory_space<vmem>>
    %dma_start3A_114 = tpu.memref_squeeze %dma_start3A_113 : memref<1x128xi32, #tpu.memory_space<vmem>> -> memref<128xi32, #tpu.memory_space<vmem>>
    %dma_start3A_115 = arith.constant 0 : i32
    %dma_start3A_116 = arith.constant 0 : i32
    %dma_start3A_117 = tpu.memref_slice %arg2[%dma_start3A_115, %dma_start3A_116] : memref<262144x128xf32, #tpu.memory_space<hbm>> -> memref<262144x128xf32, #tpu.memory_space<hbm>>
    tpu.enqueue_indirect_dma source(%dma_start3A_117 : memref<262144x128xf32, #tpu.memory_space<hbm>>) target(%arg23 : memref<128x128xf32, #tpu.memory_space<vmem>>) offsets(%dma_start3A_114 : memref<128xi32, #tpu.memory_space<vmem>>) semaphore(%arg37 : memref<!tpu.dma_semaphore, #tpu.memory_space<semaphore_mem>>)
    %dma_wait3A_118 = arith.constant 2 : i32
    %dma_wait3A_119 = arith.constant 0 : i32
    %dma_wait3A_120 = tpu.memref_slice %arg21[%dma_wait3A_118, %dma_wait3A_119] : memref<8x128xi32, #tpu.memory_space<vmem>> -> memref<1x128xi32, #tpu.memory_space<vmem>>
    %dma_wait3A_121 = tpu.memref_squeeze %dma_wait3A_120 : memref<1x128xi32, #tpu.memory_space<vmem>> -> memref<128xi32, #tpu.memory_space<vmem>>
    %dma_wait3A_122 = arith.constant 0 : i32
    %dma_wait3A_123 = arith.constant 0 : i32
    %dma_wait3A_124 = tpu.memref_slice %arg2[%dma_wait3A_122, %dma_wait3A_123] : memref<262144x128xf32, #tpu.memory_space<hbm>> -> memref<262144x128xf32, #tpu.memory_space<hbm>>
    tpu.wait_indirect_dma semaphore(%arg36 : memref<!tpu.dma_semaphore, #tpu.memory_space<semaphore_mem>>) src(%dma_wait3A_124 : memref<262144x128xf32, #tpu.memory_space<hbm>>) dst(%arg22 : memref<128x128xf32, #tpu.memory_space<vmem>>)
    %mul3A_125 = arith.constant 1024 : i32
    %mul3A_126 = arith.muli %add3A, %mul3A_125 : i32
    %add3A_127 = arith.constant 256 : i32
    %add3A_128 = arith.addi %mul3A_126, %add3A_127 : i32
    %dma_start3A_129 = arith.constant 0 : i32
    %dma_start3A_130 = tpu.memref_slice %arg11[%add3A_128, %dma_start3A_129] : memref<32768x128xf32, #tpu.memory_space<hbm>> -> memref<128x128xf32, #tpu.memory_space<hbm>>
    %dma_start3A_131 = arith.constant 0 : i32
    %dma_start3A_132 = tpu.memref_slice %arg11[%add3A_128, %dma_start3A_131] : memref<32768x128xf32, #tpu.memory_space<hbm>> -> memref<128x128xf32, #tpu.memory_space<hbm>>
    tpu.enqueue_dma source(%arg22 : memref<128x128xf32, #tpu.memory_space<vmem>>) target(%dma_start3A_132 : memref<128x128xf32, #tpu.memory_space<hbm>>) target_semaphore(%arg38 : memref<!tpu.dma_semaphore, #tpu.memory_space<semaphore_mem>>)
    %dma_wait3A_133 = arith.constant 0 : i32
    %dma_wait3A_134 = tpu.memref_slice %arg11[%add3A_128, %dma_wait3A_133] : memref<32768x128xf32, #tpu.memory_space<hbm>> -> memref<128x128xf32, #tpu.memory_space<hbm>>
    %dma_wait3A_135 = arith.constant 0 : i32
    %dma_wait3A_136 = tpu.memref_slice %arg11[%add3A_128, %dma_wait3A_135] : memref<32768x128xf32, #tpu.memory_space<hbm>> -> memref<128x128xf32, #tpu.memory_space<hbm>>
    tpu.wait_dma2 semaphore(%arg38 : memref<!tpu.dma_semaphore, #tpu.memory_space<semaphore_mem>>) src(%arg22 : memref<128x128xf32, #tpu.memory_space<vmem>>) dst(%dma_wait3A_136 : memref<128x128xf32, #tpu.memory_space<hbm>>)
    %dma_start3A_137 = arith.constant 4 : i32
    %dma_start3A_138 = arith.constant 0 : i32
    %dma_start3A_139 = tpu.memref_slice %arg21[%dma_start3A_137, %dma_start3A_138] : memref<8x128xi32, #tpu.memory_space<vmem>> -> memref<1x128xi32, #tpu.memory_space<vmem>>
    %dma_start3A_140 = tpu.memref_squeeze %dma_start3A_139 : memref<1x128xi32, #tpu.memory_space<vmem>> -> memref<128xi32, #tpu.memory_space<vmem>>
    %dma_start3A_141 = arith.constant 0 : i32
    %dma_start3A_142 = arith.constant 0 : i32
    %dma_start3A_143 = tpu.memref_slice %arg2[%dma_start3A_141, %dma_start3A_142] : memref<262144x128xf32, #tpu.memory_space<hbm>> -> memref<262144x128xf32, #tpu.memory_space<hbm>>
    tpu.enqueue_indirect_dma source(%dma_start3A_143 : memref<262144x128xf32, #tpu.memory_space<hbm>>) target(%arg22 : memref<128x128xf32, #tpu.memory_space<vmem>>) offsets(%dma_start3A_140 : memref<128xi32, #tpu.memory_space<vmem>>) semaphore(%arg36 : memref<!tpu.dma_semaphore, #tpu.memory_space<semaphore_mem>>)
    %dma_wait3A_144 = arith.constant 3 : i32
    %dma_wait3A_145 = arith.constant 0 : i32
    %dma_wait3A_146 = tpu.memref_slice %arg21[%dma_wait3A_144, %dma_wait3A_145] : memref<8x128xi32, #tpu.memory_space<vmem>> -> memref<1x128xi32, #tpu.memory_space<vmem>>
    %dma_wait3A_147 = tpu.memref_squeeze %dma_wait3A_146 : memref<1x128xi32, #tpu.memory_space<vmem>> -> memref<128xi32, #tpu.memory_space<vmem>>
    %dma_wait3A_148 = arith.constant 0 : i32
    %dma_wait3A_149 = arith.constant 0 : i32
    %dma_wait3A_150 = tpu.memref_slice %arg2[%dma_wait3A_148, %dma_wait3A_149] : memref<262144x128xf32, #tpu.memory_space<hbm>> -> memref<262144x128xf32, #tpu.memory_space<hbm>>
    tpu.wait_indirect_dma semaphore(%arg37 : memref<!tpu.dma_semaphore, #tpu.memory_space<semaphore_mem>>) src(%dma_wait3A_150 : memref<262144x128xf32, #tpu.memory_space<hbm>>) dst(%arg23 : memref<128x128xf32, #tpu.memory_space<vmem>>)
    %mul3A_151 = arith.constant 1024 : i32
    %mul3A_152 = arith.muli %add3A, %mul3A_151 : i32
    %add3A_153 = arith.constant 384 : i32
    %add3A_154 = arith.addi %mul3A_152, %add3A_153 : i32
    %dma_start3A_155 = arith.constant 0 : i32
    %dma_start3A_156 = tpu.memref_slice %arg11[%add3A_154, %dma_start3A_155] : memref<32768x128xf32, #tpu.memory_space<hbm>> -> memref<128x128xf32, #tpu.memory_space<hbm>>
    %dma_start3A_157 = arith.constant 0 : i32
    %dma_start3A_158 = tpu.memref_slice %arg11[%add3A_154, %dma_start3A_157] : memref<32768x128xf32, #tpu.memory_space<hbm>> -> memref<128x128xf32, #tpu.memory_space<hbm>>
    tpu.enqueue_dma source(%arg23 : memref<128x128xf32, #tpu.memory_space<vmem>>) target(%dma_start3A_158 : memref<128x128xf32, #tpu.memory_space<hbm>>) target_semaphore(%arg39 : memref<!tpu.dma_semaphore, #tpu.memory_space<semaphore_mem>>)
    %dma_wait3A_159 = arith.constant 0 : i32
    %dma_wait3A_160 = tpu.memref_slice %arg11[%add3A_154, %dma_wait3A_159] : memref<32768x128xf32, #tpu.memory_space<hbm>> -> memref<128x128xf32, #tpu.memory_space<hbm>>
    %dma_wait3A_161 = arith.constant 0 : i32
    %dma_wait3A_162 = tpu.memref_slice %arg11[%add3A_154, %dma_wait3A_161] : memref<32768x128xf32, #tpu.memory_space<hbm>> -> memref<128x128xf32, #tpu.memory_space<hbm>>
    tpu.wait_dma2 semaphore(%arg39 : memref<!tpu.dma_semaphore, #tpu.memory_space<semaphore_mem>>) src(%arg23 : memref<128x128xf32, #tpu.memory_space<vmem>>) dst(%dma_wait3A_162 : memref<128x128xf32, #tpu.memory_space<hbm>>)
    %dma_start3A_163 = arith.constant 5 : i32
    %dma_start3A_164 = arith.constant 0 : i32
    %dma_start3A_165 = tpu.memref_slice %arg21[%dma_start3A_163, %dma_start3A_164] : memref<8x128xi32, #tpu.memory_space<vmem>> -> memref<1x128xi32, #tpu.memory_space<vmem>>
    %dma_start3A_166 = tpu.memref_squeeze %dma_start3A_165 : memref<1x128xi32, #tpu.memory_space<vmem>> -> memref<128xi32, #tpu.memory_space<vmem>>
    %dma_start3A_167 = arith.constant 0 : i32
    %dma_start3A_168 = arith.constant 0 : i32
    %dma_start3A_169 = tpu.memref_slice %arg2[%dma_start3A_167, %dma_start3A_168] : memref<262144x128xf32, #tpu.memory_space<hbm>> -> memref<262144x128xf32, #tpu.memory_space<hbm>>
    tpu.enqueue_indirect_dma source(%dma_start3A_169 : memref<262144x128xf32, #tpu.memory_space<hbm>>) target(%arg23 : memref<128x128xf32, #tpu.memory_space<vmem>>) offsets(%dma_start3A_166 : memref<128xi32, #tpu.memory_space<vmem>>) semaphore(%arg37 : memref<!tpu.dma_semaphore, #tpu.memory_space<semaphore_mem>>)
    %dma_wait3A_170 = arith.constant 4 : i32
    %dma_wait3A_171 = arith.constant 0 : i32
    %dma_wait3A_172 = tpu.memref_slice %arg21[%dma_wait3A_170, %dma_wait3A_171] : memref<8x128xi32, #tpu.memory_space<vmem>> -> memref<1x128xi32, #tpu.memory_space<vmem>>
    %dma_wait3A_173 = tpu.memref_squeeze %dma_wait3A_172 : memref<1x128xi32, #tpu.memory_space<vmem>> -> memref<128xi32, #tpu.memory_space<vmem>>
    %dma_wait3A_174 = arith.constant 0 : i32
    %dma_wait3A_175 = arith.constant 0 : i32
    %dma_wait3A_176 = tpu.memref_slice %arg2[%dma_wait3A_174, %dma_wait3A_175] : memref<262144x128xf32, #tpu.memory_space<hbm>> -> memref<262144x128xf32, #tpu.memory_space<hbm>>
    tpu.wait_indirect_dma semaphore(%arg36 : memref<!tpu.dma_semaphore, #tpu.memory_space<semaphore_mem>>) src(%dma_wait3A_176 : memref<262144x128xf32, #tpu.memory_space<hbm>>) dst(%arg22 : memref<128x128xf32, #tpu.memory_space<vmem>>)
    %mul3A_177 = arith.constant 1024 : i32
    %mul3A_178 = arith.muli %add3A, %mul3A_177 : i32
    %add3A_179 = arith.constant 512 : i32
    %add3A_180 = arith.addi %mul3A_178, %add3A_179 : i32
    %dma_start3A_181 = arith.constant 0 : i32
    %dma_start3A_182 = tpu.memref_slice %arg11[%add3A_180, %dma_start3A_181] : memref<32768x128xf32, #tpu.memory_space<hbm>> -> memref<128x128xf32, #tpu.memory_space<hbm>>
    %dma_start3A_183 = arith.constant 0 : i32
    %dma_start3A_184 = tpu.memref_slice %arg11[%add3A_180, %dma_start3A_183] : memref<32768x128xf32, #tpu.memory_space<hbm>> -> memref<128x128xf32, #tpu.memory_space<hbm>>
    tpu.enqueue_dma source(%arg22 : memref<128x128xf32, #tpu.memory_space<vmem>>) target(%dma_start3A_184 : memref<128x128xf32, #tpu.memory_space<hbm>>) target_semaphore(%arg38 : memref<!tpu.dma_semaphore, #tpu.memory_space<semaphore_mem>>)
    %dma_wait3A_185 = arith.constant 0 : i32
    %dma_wait3A_186 = tpu.memref_slice %arg11[%add3A_180, %dma_wait3A_185] : memref<32768x128xf32, #tpu.memory_space<hbm>> -> memref<128x128xf32, #tpu.memory_space<hbm>>
    %dma_wait3A_187 = arith.constant 0 : i32
    %dma_wait3A_188 = tpu.memref_slice %arg11[%add3A_180, %dma_wait3A_187] : memref<32768x128xf32, #tpu.memory_space<hbm>> -> memref<128x128xf32, #tpu.memory_space<hbm>>
    tpu.wait_dma2 semaphore(%arg38 : memref<!tpu.dma_semaphore, #tpu.memory_space<semaphore_mem>>) src(%arg22 : memref<128x128xf32, #tpu.memory_space<vmem>>) dst(%dma_wait3A_188 : memref<128x128xf32, #tpu.memory_space<hbm>>)
    %dma_start3A_189 = arith.constant 6 : i32
    %dma_start3A_190 = arith.constant 0 : i32
    %dma_start3A_191 = tpu.memref_slice %arg21[%dma_start3A_189, %dma_start3A_190] : memref<8x128xi32, #tpu.memory_space<vmem>> -> memref<1x128xi32, #tpu.memory_space<vmem>>
    %dma_start3A_192 = tpu.memref_squeeze %dma_start3A_191 : memref<1x128xi32, #tpu.memory_space<vmem>> -> memref<128xi32, #tpu.memory_space<vmem>>
    %dma_start3A_193 = arith.constant 0 : i32
    %dma_start3A_194 = arith.constant 0 : i32
    %dma_start3A_195 = tpu.memref_slice %arg2[%dma_start3A_193, %dma_start3A_194] : memref<262144x128xf32, #tpu.memory_space<hbm>> -> memref<262144x128xf32, #tpu.memory_space<hbm>>
    tpu.enqueue_indirect_dma source(%dma_start3A_195 : memref<262144x128xf32, #tpu.memory_space<hbm>>) target(%arg22 : memref<128x128xf32, #tpu.memory_space<vmem>>) offsets(%dma_start3A_192 : memref<128xi32, #tpu.memory_space<vmem>>) semaphore(%arg36 : memref<!tpu.dma_semaphore, #tpu.memory_space<semaphore_mem>>)
    %dma_wait3A_196 = arith.constant 5 : i32
    %dma_wait3A_197 = arith.constant 0 : i32
    %dma_wait3A_198 = tpu.memref_slice %arg21[%dma_wait3A_196, %dma_wait3A_197] : memref<8x128xi32, #tpu.memory_space<vmem>> -> memref<1x128xi32, #tpu.memory_space<vmem>>
    %dma_wait3A_199 = tpu.memref_squeeze %dma_wait3A_198 : memref<1x128xi32, #tpu.memory_space<vmem>> -> memref<128xi32, #tpu.memory_space<vmem>>
    %dma_wait3A_200 = arith.constant 0 : i32
    %dma_wait3A_201 = arith.constant 0 : i32
    %dma_wait3A_202 = tpu.memref_slice %arg2[%dma_wait3A_200, %dma_wait3A_201] : memref<262144x128xf32, #tpu.memory_space<hbm>> -> memref<262144x128xf32, #tpu.memory_space<hbm>>
    tpu.wait_indirect_dma semaphore(%arg37 : memref<!tpu.dma_semaphore, #tpu.memory_space<semaphore_mem>>) src(%dma_wait3A_202 : memref<262144x128xf32, #tpu.memory_space<hbm>>) dst(%arg23 : memref<128x128xf32, #tpu.memory_space<vmem>>)
    %mul3A_203 = arith.constant 1024 : i32
    %mul3A_204 = arith.muli %add3A, %mul3A_203 : i32
    %add3A_205 = arith.constant 640 : i32
    %add3A_206 = arith.addi %mul3A_204, %add3A_205 : i32
    %dma_start3A_207 = arith.constant 0 : i32
    %dma_start3A_208 = tpu.memref_slice %arg11[%add3A_206, %dma_start3A_207] : memref<32768x128xf32, #tpu.memory_space<hbm>> -> memref<128x128xf32, #tpu.memory_space<hbm>>
    %dma_start3A_209 = arith.constant 0 : i32
    %dma_start3A_210 = tpu.memref_slice %arg11[%add3A_206, %dma_start3A_209] : memref<32768x128xf32, #tpu.memory_space<hbm>> -> memref<128x128xf32, #tpu.memory_space<hbm>>
    tpu.enqueue_dma source(%arg23 : memref<128x128xf32, #tpu.memory_space<vmem>>) target(%dma_start3A_210 : memref<128x128xf32, #tpu.memory_space<hbm>>) target_semaphore(%arg39 : memref<!tpu.dma_semaphore, #tpu.memory_space<semaphore_mem>>)
    %dma_wait3A_211 = arith.constant 0 : i32
    %dma_wait3A_212 = tpu.memref_slice %arg11[%add3A_206, %dma_wait3A_211] : memref<32768x128xf32, #tpu.memory_space<hbm>> -> memref<128x128xf32, #tpu.memory_space<hbm>>
    %dma_wait3A_213 = arith.constant 0 : i32
    %dma_wait3A_214 = tpu.memref_slice %arg11[%add3A_206, %dma_wait3A_213] : memref<32768x128xf32, #tpu.memory_space<hbm>> -> memref<128x128xf32, #tpu.memory_space<hbm>>
    tpu.wait_dma2 semaphore(%arg39 : memref<!tpu.dma_semaphore, #tpu.memory_space<semaphore_mem>>) src(%arg23 : memref<128x128xf32, #tpu.memory_space<vmem>>) dst(%dma_wait3A_214 : memref<128x128xf32, #tpu.memory_space<hbm>>)
    %dma_start3A_215 = arith.constant 7 : i32
    %dma_start3A_216 = arith.constant 0 : i32
    %dma_start3A_217 = tpu.memref_slice %arg21[%dma_start3A_215, %dma_start3A_216] : memref<8x128xi32, #tpu.memory_space<vmem>> -> memref<1x128xi32, #tpu.memory_space<vmem>>
    %dma_start3A_218 = tpu.memref_squeeze %dma_start3A_217 : memref<1x128xi32, #tpu.memory_space<vmem>> -> memref<128xi32, #tpu.memory_space<vmem>>
    %dma_start3A_219 = arith.constant 0 : i32
    %dma_start3A_220 = arith.constant 0 : i32
    %dma_start3A_221 = tpu.memref_slice %arg2[%dma_start3A_219, %dma_start3A_220] : memref<262144x128xf32, #tpu.memory_space<hbm>> -> memref<262144x128xf32, #tpu.memory_space<hbm>>
    tpu.enqueue_indirect_dma source(%dma_start3A_221 : memref<262144x128xf32, #tpu.memory_space<hbm>>) target(%arg23 : memref<128x128xf32, #tpu.memory_space<vmem>>) offsets(%dma_start3A_218 : memref<128xi32, #tpu.memory_space<vmem>>) semaphore(%arg37 : memref<!tpu.dma_semaphore, #tpu.memory_space<semaphore_mem>>)
    %dma_wait3A_222 = arith.constant 6 : i32
    %dma_wait3A_223 = arith.constant 0 : i32
    %dma_wait3A_224 = tpu.memref_slice %arg21[%dma_wait3A_222, %dma_wait3A_223] : memref<8x128xi32, #tpu.memory_space<vmem>> -> memref<1x128xi32, #tpu.memory_space<vmem>>
    %dma_wait3A_225 = tpu.memref_squeeze %dma_wait3A_224 : memref<1x128xi32, #tpu.memory_space<vmem>> -> memref<128xi32, #tpu.memory_space<vmem>>
    %dma_wait3A_226 = arith.constant 0 : i32
    %dma_wait3A_227 = arith.constant 0 : i32
    %dma_wait3A_228 = tpu.memref_slice %arg2[%dma_wait3A_226, %dma_wait3A_227] : memref<262144x128xf32, #tpu.memory_space<hbm>> -> memref<262144x128xf32, #tpu.memory_space<hbm>>
    tpu.wait_indirect_dma semaphore(%arg36 : memref<!tpu.dma_semaphore, #tpu.memory_space<semaphore_mem>>) src(%dma_wait3A_228 : memref<262144x128xf32, #tpu.memory_space<hbm>>) dst(%arg22 : memref<128x128xf32, #tpu.memory_space<vmem>>)
    %mul3A_229 = arith.constant 1024 : i32
    %mul3A_230 = arith.muli %add3A, %mul3A_229 : i32
    %add3A_231 = arith.constant 768 : i32
    %add3A_232 = arith.addi %mul3A_230, %add3A_231 : i32
    %dma_start3A_233 = arith.constant 0 : i32
    %dma_start3A_234 = tpu.memref_slice %arg11[%add3A_232, %dma_start3A_233] : memref<32768x128xf32, #tpu.memory_space<hbm>> -> memref<128x128xf32, #tpu.memory_space<hbm>>
    %dma_start3A_235 = arith.constant 0 : i32
    %dma_start3A_236 = tpu.memref_slice %arg11[%add3A_232, %dma_start3A_235] : memref<32768x128xf32, #tpu.memory_space<hbm>> -> memref<128x128xf32, #tpu.memory_space<hbm>>
    tpu.enqueue_dma source(%arg22 : memref<128x128xf32, #tpu.memory_space<vmem>>) target(%dma_start3A_236 : memref<128x128xf32, #tpu.memory_space<hbm>>) target_semaphore(%arg38 : memref<!tpu.dma_semaphore, #tpu.memory_space<semaphore_mem>>)
    %dma_wait3A_237 = arith.constant 7 : i32
    %dma_wait3A_238 = arith.constant 0 : i32
    %dma_wait3A_239 = tpu.memref_slice %arg21[%dma_wait3A_237, %dma_wait3A_238] : memref<8x128xi32, #tpu.memory_space<vmem>> -> memref<1x128xi32, #tpu.memory_space<vmem>>
    %dma_wait3A_240 = tpu.memref_squeeze %dma_wait3A_239 : memref<1x128xi32, #tpu.memory_space<vmem>> -> memref<128xi32, #tpu.memory_space<vmem>>
    %dma_wait3A_241 = arith.constant 0 : i32
    %dma_wait3A_242 = arith.constant 0 : i32
    %dma_wait3A_243 = tpu.memref_slice %arg2[%dma_wait3A_241, %dma_wait3A_242] : memref<262144x128xf32, #tpu.memory_space<hbm>> -> memref<262144x128xf32, #tpu.memory_space<hbm>>
    tpu.wait_indirect_dma semaphore(%arg37 : memref<!tpu.dma_semaphore, #tpu.memory_space<semaphore_mem>>) src(%dma_wait3A_243 : memref<262144x128xf32, #tpu.memory_space<hbm>>) dst(%arg23 : memref<128x128xf32, #tpu.memory_space<vmem>>)
    %mul3A_244 = arith.constant 1024 : i32
    %mul3A_245 = arith.muli %add3A, %mul3A_244 : i32
    %add3A_246 = arith.constant 896 : i32
    %add3A_247 = arith.addi %mul3A_245, %add3A_246 : i32
    %dma_start3A_248 = arith.constant 0 : i32
    %dma_start3A_249 = tpu.memref_slice %arg11[%add3A_247, %dma_start3A_248] : memref<32768x128xf32, #tpu.memory_space<hbm>> -> memref<128x128xf32, #tpu.memory_space<hbm>>
    %dma_start3A_250 = arith.constant 0 : i32
    %dma_start3A_251 = tpu.memref_slice %arg11[%add3A_247, %dma_start3A_250] : memref<32768x128xf32, #tpu.memory_space<hbm>> -> memref<128x128xf32, #tpu.memory_space<hbm>>
    tpu.enqueue_dma source(%arg23 : memref<128x128xf32, #tpu.memory_space<vmem>>) target(%dma_start3A_251 : memref<128x128xf32, #tpu.memory_space<hbm>>) target_semaphore(%arg39 : memref<!tpu.dma_semaphore, #tpu.memory_space<semaphore_mem>>)
    %dma_wait3A_252 = arith.constant 0 : i32
    %dma_wait3A_253 = tpu.memref_slice %arg11[%add3A_232, %dma_wait3A_252] : memref<32768x128xf32, #tpu.memory_space<hbm>> -> memref<128x128xf32, #tpu.memory_space<hbm>>
    %dma_wait3A_254 = arith.constant 0 : i32
    %dma_wait3A_255 = tpu.memref_slice %arg11[%add3A_232, %dma_wait3A_254] : memref<32768x128xf32, #tpu.memory_space<hbm>> -> memref<128x128xf32, #tpu.memory_space<hbm>>
    tpu.wait_dma2 semaphore(%arg38 : memref<!tpu.dma_semaphore, #tpu.memory_space<semaphore_mem>>) src(%arg22 : memref<128x128xf32, #tpu.memory_space<vmem>>) dst(%dma_wait3A_255 : memref<128x128xf32, #tpu.memory_space<hbm>>)
    %dma_wait3A_256 = arith.constant 0 : i32
    %dma_wait3A_257 = tpu.memref_slice %arg11[%add3A_247, %dma_wait3A_256] : memref<32768x128xf32, #tpu.memory_space<hbm>> -> memref<128x128xf32, #tpu.memory_space<hbm>>
    %dma_wait3A_258 = arith.constant 0 : i32
    %dma_wait3A_259 = tpu.memref_slice %arg11[%add3A_247, %dma_wait3A_258] : memref<32768x128xf32, #tpu.memory_space<hbm>> -> memref<128x128xf32, #tpu.memory_space<hbm>>
    tpu.wait_dma2 semaphore(%arg39 : memref<!tpu.dma_semaphore, #tpu.memory_space<semaphore_mem>>) src(%arg23 : memref<128x128xf32, #tpu.memory_space<vmem>>) dst(%dma_wait3A_259 : memref<128x128xf32, #tpu.memory_space<hbm>>)
    %dma_wait3A_260 = arith.constant 0 : i32
    %dma_wait3A_261 = arith.constant 0 : i32
    %dma_wait3A_262 = tpu.memref_slice %arg3[%dma_wait3A_260, %dma_wait3A_261] : memref<2048x128xi32, #tpu.memory_space<hbm>> -> memref<2048x128xi32, #tpu.memory_space<hbm>>
    tpu.wait_indirect_dma semaphore(%arg40 : memref<!tpu.dma_semaphore, #tpu.memory_space<semaphore_mem>>) src(%dma_wait3A_262 : memref<2048x128xi32, #tpu.memory_space<hbm>>) dst(%arg24 : memref<32x128xi32, #tpu.memory_space<vmem>>)
    %dma_wait3A_263 = arith.constant 0 : i32
    %dma_wait3A_264 = arith.constant 0 : i32
    %dma_wait3A_265 = tpu.memref_slice %arg4[%dma_wait3A_263, %dma_wait3A_264] : memref<2048x128xf32, #tpu.memory_space<hbm>> -> memref<2048x128xf32, #tpu.memory_space<hbm>>
    tpu.wait_indirect_dma semaphore(%arg40 : memref<!tpu.dma_semaphore, #tpu.memory_space<semaphore_mem>>) src(%dma_wait3A_265 : memref<2048x128xf32, #tpu.memory_space<hbm>>) dst(%arg25 : memref<32x128xf32, #tpu.memory_space<vmem>>)
    %dma_wait3A_266 = arith.constant 0 : i32
    %dma_wait3A_267 = arith.constant 0 : i32
    %dma_wait3A_268 = tpu.memref_slice %arg5[%dma_wait3A_266, %dma_wait3A_267] : memref<2048x128xi32, #tpu.memory_space<hbm>> -> memref<2048x128xi32, #tpu.memory_space<hbm>>
    tpu.wait_indirect_dma semaphore(%arg40 : memref<!tpu.dma_semaphore, #tpu.memory_space<semaphore_mem>>) src(%dma_wait3A_268 : memref<2048x128xi32, #tpu.memory_space<hbm>>) dst(%arg26 : memref<32x128xi32, #tpu.memory_space<vmem>>)
    %dma_wait3A_269 = arith.constant 0 : i32
    %dma_wait3A_270 = arith.constant 0 : i32
    %dma_wait3A_271 = tpu.memref_slice %arg6[%dma_wait3A_269, %dma_wait3A_270] : memref<2048x128xf32, #tpu.memory_space<hbm>> -> memref<2048x128xf32, #tpu.memory_space<hbm>>
    tpu.wait_indirect_dma semaphore(%arg40 : memref<!tpu.dma_semaphore, #tpu.memory_space<semaphore_mem>>) src(%dma_wait3A_271 : memref<2048x128xf32, #tpu.memory_space<hbm>>) dst(%arg27 : memref<32x128xf32, #tpu.memory_space<vmem>>)
    %dma_wait3A_272 = arith.constant 0 : i32
    %dma_wait3A_273 = arith.constant 0 : i32
    %dma_wait3A_274 = tpu.memref_slice %arg7[%dma_wait3A_272, %dma_wait3A_273] : memref<2048x128xf32, #tpu.memory_space<hbm>> -> memref<2048x128xf32, #tpu.memory_space<hbm>>
    tpu.wait_indirect_dma semaphore(%arg40 : memref<!tpu.dma_semaphore, #tpu.memory_space<semaphore_mem>>) src(%dma_wait3A_274 : memref<2048x128xf32, #tpu.memory_space<hbm>>) dst(%arg28 : memref<32x128xf32, #tpu.memory_space<vmem>>)
    %dma_wait3A_275 = arith.constant 0 : i32
    %dma_wait3A_276 = arith.constant 0 : i32
    %dma_wait3A_277 = tpu.memref_slice %arg8[%dma_wait3A_275, %dma_wait3A_276] : memref<2048x128xf32, #tpu.memory_space<hbm>> -> memref<2048x128xf32, #tpu.memory_space<hbm>>
    tpu.wait_indirect_dma semaphore(%arg40 : memref<!tpu.dma_semaphore, #tpu.memory_space<semaphore_mem>>) src(%dma_wait3A_277 : memref<2048x128xf32, #tpu.memory_space<hbm>>) dst(%arg29 : memref<32x128xf32, #tpu.memory_space<vmem>>)
    %scan3A_278 = arith.constant 0 : i32
    %scan3A_279 = arith.constant 0 : i32
    %scan3A_280 = arith.constant 64 : i32
    %scan3A_281 = arith.addi %scan3A_279, %scan3A_280 : i32
    %scan3A_282 = arith.constant 1 : i32
    scf.for %scan3A_296 = %scan3A_279 to %scan3A_281 step %scan3A_282  : i32 {
      %add3A_297 = vector.broadcast %scan3A_296 : i32 to vector<16xi32>
      %add3A_298 = arith.addi %get3A_3, %add3A_297 : vector<16xi32>
      %mul3A_299 = arith.constant 2 : i32
      %mul3A_300 = vector.broadcast %mul3A_299 : i32 to vector<16xi32>
      %mul3A_301 = arith.muli %iota3A, %mul3A_300 : vector<16xi32>
      %shift_right_arithmetic3A = arith.constant 7 : i32
      %shift_right_arithmetic3A_302 = vector.broadcast %shift_right_arithmetic3A : i32 to vector<16xi32>
      %shift_right_arithmetic3A_303 = arith.shrsi %add3A_298, %shift_right_arithmetic3A_302 : vector<16xi32>
      %add3A_304 = arith.addi %mul3A_301, %shift_right_arithmetic3A_303 : vector<16xi32>
      %and3A = arith.constant 127 : i32
      %and3A_305 = vector.broadcast %and3A : i32 to vector<16xi32>
      %and3A_306 = arith.andi %add3A_298, %and3A_305 : vector<16xi32>
      %add3A_307 = vector.broadcast %scan3A_296 : i32 to vector<16xi32>
      %add3A_308 = arith.addi %mul3A_47, %add3A_307 : vector<16xi32>
      %shift_right_arithmetic3A_309 = arith.constant 7 : i32
      %shift_right_arithmetic3A_310 = vector.broadcast %shift_right_arithmetic3A_309 : i32 to vector<16xi32>
      %shift_right_arithmetic3A_311 = arith.shrsi %add3A_308, %shift_right_arithmetic3A_310 : vector<16xi32>
      %and3A_312 = arith.constant 127 : i32
      %and3A_313 = vector.broadcast %and3A_312 : i32 to vector<16xi32>
      %and3A_314 = arith.andi %add3A_308, %and3A_313 : vector<16xi32>
      %gather3A = tpu.vector_load_idx %arg24[%add3A_304, %and3A_306] : memref<32x128xi32, #tpu.memory_space<vmem>>[vector<16xi32>, vector<16xi32>], vector<16xi32>,
      tpu.vector_store_idx %arg30[%shift_right_arithmetic3A_311, %and3A_314], %gather3A : memref<8x128xi32, #tpu.memory_space<vmem>>[vector<16xi32>, vector<16xi32>], vector<16xi32>,
      %gather3A_315 = tpu.vector_load_idx %arg25[%add3A_304, %and3A_306] : memref<32x128xf32, #tpu.memory_space<vmem>>[vector<16xi32>, vector<16xi32>], vector<16xf32>,
      tpu.vector_store_idx %arg31[%shift_right_arithmetic3A_311, %and3A_314], %gather3A_315 : memref<8x128xf32, #tpu.memory_space<vmem>>[vector<16xi32>, vector<16xi32>], vector<16xf32>,
      %gather3A_316 = tpu.vector_load_idx %arg26[%add3A_304, %and3A_306] : memref<32x128xi32, #tpu.memory_space<vmem>>[vector<16xi32>, vector<16xi32>], vector<16xi32>,
      tpu.vector_store_idx %arg32[%shift_right_arithmetic3A_311, %and3A_314], %gather3A_316 : memref<8x128xi32, #tpu.memory_space<vmem>>[vector<16xi32>, vector<16xi32>], vector<16xi32>,
      %gather3A_317 = tpu.vector_load_idx %arg27[%add3A_304, %and3A_306] : memref<32x128xf32, #tpu.memory_space<vmem>>[vector<16xi32>, vector<16xi32>], vector<16xf32>,
      tpu.vector_store_idx %arg33[%shift_right_arithmetic3A_311, %and3A_314], %gather3A_317 : memref<8x128xf32, #tpu.memory_space<vmem>>[vector<16xi32>, vector<16xi32>], vector<16xf32>,
      %gather3A_318 = tpu.vector_load_idx %arg28[%add3A_304, %and3A_306] : memref<32x128xf32, #tpu.memory_space<vmem>>[vector<16xi32>, vector<16xi32>], vector<16xf32>,
      tpu.vector_store_idx %arg34[%shift_right_arithmetic3A_311, %and3A_314], %gather3A_318 : memref<8x128xf32, #tpu.memory_space<vmem>>[vector<16xi32>, vector<16xi32>], vector<16xf32>,
      %gather3A_319 = tpu.vector_load_idx %arg29[%add3A_304, %and3A_306] : memref<32x128xf32, #tpu.memory_space<vmem>>[vector<16xi32>, vector<16xi32>], vector<16xf32>,
      tpu.vector_store_idx %arg35[%shift_right_arithmetic3A_311, %and3A_314], %gather3A_319 : memref<8x128xf32, #tpu.memory_space<vmem>>[vector<16xi32>, vector<16xi32>], vector<16xf32>,
    }
    %scan3A_283 = arith.constant 64 : i32
    %mul3A_284 = arith.constant 8 : i32
    %mul3A_285 = arith.muli %add3A, %mul3A_284 : i32
    "tpu.region"() ({
      %run_scoped3A = tpu.sem_alloc : memref<!tpu.dma_semaphore, #tpu.memory_space<semaphore_mem>>
      %dma_start3A_296 = arith.constant 0 : i32
      %dma_start3A_297 = tpu.memref_slice %arg12[%mul3A_285, %dma_start3A_296] : memref<256x128xi32, #tpu.memory_space<hbm>> -> memref<8x128xi32, #tpu.memory_space<hbm>>
      %dma_start3A_298 = arith.constant 0 : i32
      %dma_start3A_299 = tpu.memref_slice %arg12[%mul3A_285, %dma_start3A_298] : memref<256x128xi32, #tpu.memory_space<hbm>> -> memref<8x128xi32, #tpu.memory_space<hbm>>
      tpu.enqueue_dma source(%arg30 : memref<8x128xi32, #tpu.memory_space<vmem>>) target(%dma_start3A_299 : memref<8x128xi32, #tpu.memory_space<hbm>>) target_semaphore(%run_scoped3A : memref<!tpu.dma_semaphore, #tpu.memory_space<semaphore_mem>>)
      %dma_wait3A_300 = arith.constant 0 : i32
      %dma_wait3A_301 = tpu.memref_slice %arg12[%mul3A_285, %dma_wait3A_300] : memref<256x128xi32, #tpu.memory_space<hbm>> -> memref<8x128xi32, #tpu.memory_space<hbm>>
      %dma_wait3A_302 = arith.constant 0 : i32
      %dma_wait3A_303 = tpu.memref_slice %arg12[%mul3A_285, %dma_wait3A_302] : memref<256x128xi32, #tpu.memory_space<hbm>> -> memref<8x128xi32, #tpu.memory_space<hbm>>
      tpu.wait_dma2 semaphore(%run_scoped3A : memref<!tpu.dma_semaphore, #tpu.memory_space<semaphore_mem>>) src(%arg30 : memref<8x128xi32, #tpu.memory_space<vmem>>) dst(%dma_wait3A_303 : memref<8x128xi32, #tpu.memory_space<hbm>>)
      tpu.yield
    }) : () -> ()
    %mul3A_286 = arith.constant 8 : i32
    %mul3A_287 = arith.muli %add3A, %mul3A_286 : i32
    "tpu.region"() ({
      %run_scoped3A = tpu.sem_alloc : memref<!tpu.dma_semaphore, #tpu.memory_space<semaphore_mem>>
      %dma_start3A_296 = arith.constant 0 : i32
      %dma_start3A_297 = tpu.memref_slice %arg13[%mul3A_287, %dma_start3A_296] : memref<256x128xf32, #tpu.memory_space<hbm>> -> memref<8x128xf32, #tpu.memory_space<hbm>>
      %dma_start3A_298 = arith.constant 0 : i32
      %dma_start3A_299 = tpu.memref_slice %arg13[%mul3A_287, %dma_start3A_298] : memref<256x128xf32, #tpu.memory_space<hbm>> -> memref<8x128xf32, #tpu.memory_space<hbm>>
      tpu.enqueue_dma source(%arg31 : memref<8x128xf32, #tpu.memory_space<vmem>>) target(%dma_start3A_299 : memref<8x128xf32, #tpu.memory_space<hbm>>) target_semaphore(%run_scoped3A : memref<!tpu.dma_semaphore, #tpu.memory_space<semaphore_mem>>)
      %dma_wait3A_300 = arith.constant 0 : i32
      %dma_wait3A_301 = tpu.memref_slice %arg13[%mul3A_287, %dma_wait3A_300] : memref<256x128xf32, #tpu.memory_space<hbm>> -> memref<8x128xf32, #tpu.memory_space<hbm>>
      %dma_wait3A_302 = arith.constant 0 : i32
      %dma_wait3A_303 = tpu.memref_slice %arg13[%mul3A_287, %dma_wait3A_302] : memref<256x128xf32, #tpu.memory_space<hbm>> -> memref<8x128xf32, #tpu.memory_space<hbm>>
      tpu.wait_dma2 semaphore(%run_scoped3A : memref<!tpu.dma_semaphore, #tpu.memory_space<semaphore_mem>>) src(%arg31 : memref<8x128xf32, #tpu.memory_space<vmem>>) dst(%dma_wait3A_303 : memref<8x128xf32, #tpu.memory_space<hbm>>)
      tpu.yield
    }) : () -> ()
    %mul3A_288 = arith.constant 8 : i32
    %mul3A_289 = arith.muli %add3A, %mul3A_288 : i32
    "tpu.region"() ({
      %run_scoped3A = tpu.sem_alloc : memref<!tpu.dma_semaphore, #tpu.memory_space<semaphore_mem>>
      %dma_start3A_296 = arith.constant 0 : i32
      %dma_start3A_297 = tpu.memref_slice %arg14[%mul3A_289, %dma_start3A_296] : memref<256x128xi32, #tpu.memory_space<hbm>> -> memref<8x128xi32, #tpu.memory_space<hbm>>
      %dma_start3A_298 = arith.constant 0 : i32
      %dma_start3A_299 = tpu.memref_slice %arg14[%mul3A_289, %dma_start3A_298] : memref<256x128xi32, #tpu.memory_space<hbm>> -> memref<8x128xi32, #tpu.memory_space<hbm>>
      tpu.enqueue_dma source(%arg32 : memref<8x128xi32, #tpu.memory_space<vmem>>) target(%dma_start3A_299 : memref<8x128xi32, #tpu.memory_space<hbm>>) target_semaphore(%run_scoped3A : memref<!tpu.dma_semaphore, #tpu.memory_space<semaphore_mem>>)
      %dma_wait3A_300 = arith.constant 0 : i32
      %dma_wait3A_301 = tpu.memref_slice %arg14[%mul3A_289, %dma_wait3A_300] : memref<256x128xi32, #tpu.memory_space<hbm>> -> memref<8x128xi32, #tpu.memory_space<hbm>>
      %dma_wait3A_302 = arith.constant 0 : i32
      %dma_wait3A_303 = tpu.memref_slice %arg14[%mul3A_289, %dma_wait3A_302] : memref<256x128xi32, #tpu.memory_space<hbm>> -> memref<8x128xi32, #tpu.memory_space<hbm>>
      tpu.wait_dma2 semaphore(%run_scoped3A : memref<!tpu.dma_semaphore, #tpu.memory_space<semaphore_mem>>) src(%arg32 : memref<8x128xi32, #tpu.memory_space<vmem>>) dst(%dma_wait3A_303 : memref<8x128xi32, #tpu.memory_space<hbm>>)
      tpu.yield
    }) : () -> ()
    %mul3A_290 = arith.constant 8 : i32
    %mul3A_291 = arith.muli %add3A, %mul3A_290 : i32
    "tpu.region"() ({
      %run_scoped3A = tpu.sem_alloc : memref<!tpu.dma_semaphore, #tpu.memory_space<semaphore_mem>>
      %dma_start3A_296 = arith.constant 0 : i32
      %dma_start3A_297 = tpu.memref_slice %arg15[%mul3A_291, %dma_start3A_296] : memref<256x128xf32, #tpu.memory_space<hbm>> -> memref<8x128xf32, #tpu.memory_space<hbm>>
      %dma_start3A_298 = arith.constant 0 : i32
      %dma_start3A_299 = tpu.memref_slice %arg15[%mul3A_291, %dma_start3A_298] : memref<256x128xf32, #tpu.memory_space<hbm>> -> memref<8x128xf32, #tpu.memory_space<hbm>>
      tpu.enqueue_dma source(%arg33 : memref<8x128xf32, #tpu.memory_space<vmem>>) target(%dma_start3A_299 : memref<8x128xf32, #tpu.memory_space<hbm>>) target_semaphore(%run_scoped3A : memref<!tpu.dma_semaphore, #tpu.memory_space<semaphore_mem>>)
      %dma_wait3A_300 = arith.constant 0 : i32
      %dma_wait3A_301 = tpu.memref_slice %arg15[%mul3A_291, %dma_wait3A_300] : memref<256x128xf32, #tpu.memory_space<hbm>> -> memref<8x128xf32, #tpu.memory_space<hbm>>
      %dma_wait3A_302 = arith.constant 0 : i32
      %dma_wait3A_303 = tpu.memref_slice %arg15[%mul3A_291, %dma_wait3A_302] : memref<256x128xf32, #tpu.memory_space<hbm>> -> memref<8x128xf32, #tpu.memory_space<hbm>>
      tpu.wait_dma2 semaphore(%run_scoped3A : memref<!tpu.dma_semaphore, #tpu.memory_space<semaphore_mem>>) src(%arg33 : memref<8x128xf32, #tpu.memory_space<vmem>>) dst(%dma_wait3A_303 : memref<8x128xf32, #tpu.memory_space<hbm>>)
      tpu.yield
    }) : () -> ()
    %mul3A_292 = arith.constant 8 : i32
    %mul3A_293 = arith.muli %add3A, %mul3A_292 : i32
    "tpu.region"() ({
      %run_scoped3A = tpu.sem_alloc : memref<!tpu.dma_semaphore, #tpu.memory_space<semaphore_mem>>
      %dma_start3A_296 = arith.constant 0 : i32
      %dma_start3A_297 = tpu.memref_slice %arg16[%mul3A_293, %dma_start3A_296] : memref<256x128xf32, #tpu.memory_space<hbm>> -> memref<8x128xf32, #tpu.memory_space<hbm>>
      %dma_start3A_298 = arith.constant 0 : i32
      %dma_start3A_299 = tpu.memref_slice %arg16[%mul3A_293, %dma_start3A_298] : memref<256x128xf32, #tpu.memory_space<hbm>> -> memref<8x128xf32, #tpu.memory_space<hbm>>
      tpu.enqueue_dma source(%arg34 : memref<8x128xf32, #tpu.memory_space<vmem>>) target(%dma_start3A_299 : memref<8x128xf32, #tpu.memory_space<hbm>>) target_semaphore(%run_scoped3A : memref<!tpu.dma_semaphore, #tpu.memory_space<semaphore_mem>>)
      %dma_wait3A_300 = arith.constant 0 : i32
      %dma_wait3A_301 = tpu.memref_slice %arg16[%mul3A_293, %dma_wait3A_300] : memref<256x128xf32, #tpu.memory_space<hbm>> -> memref<8x128xf32, #tpu.memory_space<hbm>>
      %dma_wait3A_302 = arith.constant 0 : i32
      %dma_wait3A_303 = tpu.memref_slice %arg16[%mul3A_293, %dma_wait3A_302] : memref<256x128xf32, #tpu.memory_space<hbm>> -> memref<8x128xf32, #tpu.memory_space<hbm>>
      tpu.wait_dma2 semaphore(%run_scoped3A : memref<!tpu.dma_semaphore, #tpu.memory_space<semaphore_mem>>) src(%arg34 : memref<8x128xf32, #tpu.memory_space<vmem>>) dst(%dma_wait3A_303 : memref<8x128xf32, #tpu.memory_space<hbm>>)
      tpu.yield
    }) : () -> ()
    %mul3A_294 = arith.constant 8 : i32
    %mul3A_295 = arith.muli %add3A, %mul3A_294 : i32
    "tpu.region"() ({
      %run_scoped3A = tpu.sem_alloc : memref<!tpu.dma_semaphore, #tpu.memory_space<semaphore_mem>>
      %dma_start3A_296 = arith.constant 0 : i32
      %dma_start3A_297 = tpu.memref_slice %arg17[%mul3A_295, %dma_start3A_296] : memref<256x128xf32, #tpu.memory_space<hbm>> -> memref<8x128xf32, #tpu.memory_space<hbm>>
      %dma_start3A_298 = arith.constant 0 : i32
      %dma_start3A_299 = tpu.memref_slice %arg17[%mul3A_295, %dma_start3A_298] : memref<256x128xf32, #tpu.memory_space<hbm>> -> memref<8x128xf32, #tpu.memory_space<hbm>>
      tpu.enqueue_dma source(%arg35 : memref<8x128xf32, #tpu.memory_space<vmem>>) target(%dma_start3A_299 : memref<8x128xf32, #tpu.memory_space<hbm>>) target_semaphore(%run_scoped3A : memref<!tpu.dma_semaphore, #tpu.memory_space<semaphore_mem>>)
      %dma_wait3A_300 = arith.constant 0 : i32
      %dma_wait3A_301 = tpu.memref_slice %arg17[%mul3A_295, %dma_wait3A_300] : memref<256x128xf32, #tpu.memory_space<hbm>> -> memref<8x128xf32, #tpu.memory_space<hbm>>
      %dma_wait3A_302 = arith.constant 0 : i32
      %dma_wait3A_303 = tpu.memref_slice %arg17[%mul3A_295, %dma_wait3A_302] : memref<256x128xf32, #tpu.memory_space<hbm>> -> memref<8x128xf32, #tpu.memory_space<hbm>>
      tpu.wait_dma2 semaphore(%run_scoped3A : memref<!tpu.dma_semaphore, #tpu.memory_space<semaphore_mem>>) src(%arg35 : memref<8x128xf32, #tpu.memory_space<vmem>>) dst(%dma_wait3A_303 : memref<8x128xf32, #tpu.memory_space<hbm>>)
      tpu.yield
    }) : () -> ()
    return
  }
}

module attributes {stable_mosaic.version = 14 : i64} {
  func.func @_ap_tc_body(%arg0: i32, %arg1: memref<512xi32, #tpu.memory_space<smem>>, %arg2: memref<512xi32, #tpu.memory_space<smem>>, %arg3: memref<1x64x256xf32, #tpu.memory_space<vmem>>, %arg4: memref<1x64x256xf32, #tpu.memory_space<vmem>>, %arg5: memref<1x64x256xf32, #tpu.memory_space<vmem>>, %arg6: memref<1x64x256xf32, #tpu.memory_space<vmem>>, %arg7: memref<1x64x256xf32, #tpu.memory_space<vmem>>, %arg8: memref<1x64x256xf32, #tpu.memory_space<vmem>>, %arg9: memref<1x64x256xf32, #tpu.memory_space<vmem>>, %arg10: memref<1x64x256xf32, #tpu.memory_space<vmem>>, %arg11: memref<1x64x256xf32, #tpu.memory_space<vmem>>, %arg12: memref<1x64x256xf32, #tpu.memory_space<vmem>>, %arg13: memref<1x64x256xf32, #tpu.memory_space<vmem>>, %arg14: memref<1x64x256xf32, #tpu.memory_space<vmem>>, %arg15: memref<1x64x256xf32, #tpu.memory_space<vmem>>, %arg16: memref<1x64x256xf32, #tpu.memory_space<vmem>>, %arg17: memref<1x64x256xf32, #tpu.memory_space<vmem>>, %arg18: memref<1x64x256xf32, #tpu.memory_space<vmem>>, %arg19: memref<1x64x256xf32, #tpu.memory_space<vmem>>, %arg20: memref<1x64x256xf32, #tpu.memory_space<vmem>>, %arg21: memref<1x64x256xf32, #tpu.memory_space<vmem>>, %arg22: memref<1x64x256xf32, #tpu.memory_space<vmem>>, %arg23: memref<1x64x256xf32, #tpu.memory_space<vmem>>, %arg24: memref<1x64x256xf32, #tpu.memory_space<vmem>>, %arg25: memref<1x64x256xf32, #tpu.memory_space<vmem>>, %arg26: memref<1x64x256xf32, #tpu.memory_space<vmem>>, %arg27: memref<1x64x256xf32, #tpu.memory_space<vmem>>, %arg28: memref<1x64x256xf32, #tpu.memory_space<vmem>>, %arg29: memref<1x64x256xf32, #tpu.memory_space<vmem>>, %arg30: memref<1x64x256xf32, #tpu.memory_space<vmem>>, %arg31: memref<1x64x256xf32, #tpu.memory_space<vmem>>, %arg32: memref<1x64x256xf32, #tpu.memory_space<vmem>>, %arg33: memref<1x64x256xf32, #tpu.memory_space<vmem>>, %arg34: memref<1x64x256xf32, #tpu.memory_space<vmem>>, %arg35: memref<32x64x64xf32, #tpu.memory_space<vmem>>) attributes {dimension_semantics = [#tpu.dimension_semantics<arbitrary>], iteration_bounds = array<i64: 16>, scalar_prefetch = 2 : i64, scratch_operands = 0 : i64, tpu.core_type = #tpu.core_type<tc>, window_params = [{transform_indices = @transform_0, window_bounds = array<i64: 1, 64, 256>}, {transform_indices = @transform_1, window_bounds = array<i64: 1, 64, 256>}, {transform_indices = @transform_2, window_bounds = array<i64: 1, 64, 256>}, {transform_indices = @transform_3, window_bounds = array<i64: 1, 64, 256>}, {transform_indices = @transform_4, window_bounds = array<i64: 1, 64, 256>}, {transform_indices = @transform_5, window_bounds = array<i64: 1, 64, 256>}, {transform_indices = @transform_6, window_bounds = array<i64: 1, 64, 256>}, {transform_indices = @transform_7, window_bounds = array<i64: 1, 64, 256>}, {transform_indices = @transform_8, window_bounds = array<i64: 1, 64, 256>}, {transform_indices = @transform_9, window_bounds = array<i64: 1, 64, 256>}, {transform_indices = @transform_10, window_bounds = array<i64: 1, 64, 256>}, {transform_indices = @transform_11, window_bounds = array<i64: 1, 64, 256>}, {transform_indices = @transform_12, window_bounds = array<i64: 1, 64, 256>}, {transform_indices = @transform_13, window_bounds = array<i64: 1, 64, 256>}, {transform_indices = @transform_14, window_bounds = array<i64: 1, 64, 256>}, {transform_indices = @transform_15, window_bounds = array<i64: 1, 64, 256>}, {transform_indices = @transform_16, window_bounds = array<i64: 1, 64, 256>}, {transform_indices = @transform_17, window_bounds = array<i64: 1, 64, 256>}, {transform_indices = @transform_18, window_bounds = array<i64: 1, 64, 256>}, {transform_indices = @transform_19, window_bounds = array<i64: 1, 64, 256>}, {transform_indices = @transform_20, window_bounds = array<i64: 1, 64, 256>}, {transform_indices = @transform_21, window_bounds = array<i64: 1, 64, 256>}, {transform_indices = @transform_22, window_bounds = array<i64: 1, 64, 256>}, {transform_indices = @transform_23, window_bounds = array<i64: 1, 64, 256>}, {transform_indices = @transform_24, window_bounds = array<i64: 1, 64, 256>}, {transform_indices = @transform_25, window_bounds = array<i64: 1, 64, 256>}, {transform_indices = @transform_26, window_bounds = array<i64: 1, 64, 256>}, {transform_indices = @transform_27, window_bounds = array<i64: 1, 64, 256>}, {transform_indices = @transform_28, window_bounds = array<i64: 1, 64, 256>}, {transform_indices = @transform_29, window_bounds = array<i64: 1, 64, 256>}, {transform_indices = @transform_30, window_bounds = array<i64: 1, 64, 256>}, {transform_indices = @transform_31, window_bounds = array<i64: 1, 64, 256>}, {transform_indices = @transform_32, window_bounds = array<i64: 32, 64, 64>}]} {
    %iota3A = tpu.iota {dimensions = array<i32: 0>} : vector<256x64xi32>
    %iota3A_0 = tpu.iota {dimensions = array<i32: 1>} : vector<256x64xi32>
    %mul3A = arith.constant 32 : i32
    %mul3A_1 = arith.muli %arg0, %mul3A : i32
    %add3A = arith.constant 0 : i32
    %add3A_2 = arith.addi %mul3A_1, %add3A : i32
    %get3A = arith.index_cast %add3A_2 : i32 to index
    %get3A_3 = memref.load %arg2[%get3A] : memref<512xi32, #tpu.memory_space<smem>>
    %add3A_4 = vector.broadcast %get3A_3 : i32 to vector<256x64xi32>
    %add3A_5 = arith.addi %iota3A_0, %add3A_4 : vector<256x64xi32>
    %eq3A = arith.cmpi eq, %iota3A, %add3A_5 : vector<256x64xi32>
    %convert_element_type3A = arith.extui %eq3A : vector<256x64xi1> to vector<256x64xi32>
    %convert_element_type3A_6 = arith.sitofp %convert_element_type3A : vector<256x64xi32> to vector<256x64xf32>
    %get3A_7 = arith.constant 0 : index
    %get3A_8 = arith.constant 0 : index
    %get3A_9 = arith.constant 0 : index
    %get3A_10 = vector.load %arg3[%get3A_7, %get3A_8, %get3A_9] : memref<1x64x256xf32, #tpu.memory_space<vmem>>, vector<1x64x256xf32>
    %get3A_11 = vector.shape_cast %get3A_10 : vector<1x64x256xf32> to vector<64x256xf32>
    %dot_general3A = arith.constant dense<0.000000e+00> : vector<64x64xf32>
    %dot_general3A_12 = tpu.matmul %get3A_11, %convert_element_type3A_6, %dot_general3A {dimension_numbers = #tpu.dot_dimension_numbers<[1], [0], [0], [1], [0, 0, 1, 1], [], []>, transpose_lhs_hint = false} : vector<64x256xf32>, vector<256x64xf32>, vector<64x64xf32> -> vector<64x64xf32>
    %swap3A = arith.constant 0 : index
    %swap3A_13 = arith.constant 0 : index
    %swap3A_14 = arith.constant 0 : index
    %swap3A_15 = vector.load %arg35[%swap3A, %swap3A_13, %swap3A_14] : memref<32x64x64xf32, #tpu.memory_space<vmem>>, vector<1x64x64xf32>
    %swap3A_16 = vector.shape_cast %swap3A_15 : vector<1x64x64xf32> to vector<64x64xf32>
    %swap3A_17 = vector.shape_cast %dot_general3A_12 : vector<64x64xf32> to vector<1x64x64xf32>
    tpu.vector_store %arg35[%swap3A, %swap3A_13, %swap3A_14], %swap3A_17 {strides = array<i32>} : memref<32x64x64xf32, #tpu.memory_space<vmem>>, vector<1x64x64xf32>,
    %mul3A_18 = arith.constant 32 : i32
    %mul3A_19 = arith.muli %arg0, %mul3A_18 : i32
    %add3A_20 = arith.constant 1 : i32
    %add3A_21 = arith.addi %mul3A_19, %add3A_20 : i32
    %get3A_22 = arith.index_cast %add3A_21 : i32 to index
    %get3A_23 = memref.load %arg2[%get3A_22] : memref<512xi32, #tpu.memory_space<smem>>
    %add3A_24 = vector.broadcast %get3A_23 : i32 to vector<256x64xi32>
    %add3A_25 = arith.addi %iota3A_0, %add3A_24 : vector<256x64xi32>
    %eq3A_26 = arith.cmpi eq, %iota3A, %add3A_25 : vector<256x64xi32>
    %convert_element_type3A_27 = arith.extui %eq3A_26 : vector<256x64xi1> to vector<256x64xi32>
    %convert_element_type3A_28 = arith.sitofp %convert_element_type3A_27 : vector<256x64xi32> to vector<256x64xf32>
    %get3A_29 = arith.constant 0 : index
    %get3A_30 = arith.constant 0 : index
    %get3A_31 = arith.constant 0 : index
    %get3A_32 = vector.load %arg4[%get3A_29, %get3A_30, %get3A_31] : memref<1x64x256xf32, #tpu.memory_space<vmem>>, vector<1x64x256xf32>
    %get3A_33 = vector.shape_cast %get3A_32 : vector<1x64x256xf32> to vector<64x256xf32>
    %dot_general3A_34 = arith.constant dense<0.000000e+00> : vector<64x64xf32>
    %dot_general3A_35 = tpu.matmul %get3A_33, %convert_element_type3A_28, %dot_general3A_34 {dimension_numbers = #tpu.dot_dimension_numbers<[1], [0], [0], [1], [0, 0, 1, 1], [], []>, transpose_lhs_hint = false} : vector<64x256xf32>, vector<256x64xf32>, vector<64x64xf32> -> vector<64x64xf32>
    %swap3A_36 = arith.constant 1 : index
    %swap3A_37 = arith.constant 0 : index
    %swap3A_38 = arith.constant 0 : index
    %swap3A_39 = vector.load %arg35[%swap3A_36, %swap3A_37, %swap3A_38] : memref<32x64x64xf32, #tpu.memory_space<vmem>>, vector<1x64x64xf32>
    %swap3A_40 = vector.shape_cast %swap3A_39 : vector<1x64x64xf32> to vector<64x64xf32>
    %swap3A_41 = vector.shape_cast %dot_general3A_35 : vector<64x64xf32> to vector<1x64x64xf32>
    tpu.vector_store %arg35[%swap3A_36, %swap3A_37, %swap3A_38], %swap3A_41 {strides = array<i32>} : memref<32x64x64xf32, #tpu.memory_space<vmem>>, vector<1x64x64xf32>,
    %mul3A_42 = arith.constant 32 : i32
    %mul3A_43 = arith.muli %arg0, %mul3A_42 : i32
    %add3A_44 = arith.constant 2 : i32
    %add3A_45 = arith.addi %mul3A_43, %add3A_44 : i32
    %get3A_46 = arith.index_cast %add3A_45 : i32 to index
    %get3A_47 = memref.load %arg2[%get3A_46] : memref<512xi32, #tpu.memory_space<smem>>
    %add3A_48 = vector.broadcast %get3A_47 : i32 to vector<256x64xi32>
    %add3A_49 = arith.addi %iota3A_0, %add3A_48 : vector<256x64xi32>
    %eq3A_50 = arith.cmpi eq, %iota3A, %add3A_49 : vector<256x64xi32>
    %convert_element_type3A_51 = arith.extui %eq3A_50 : vector<256x64xi1> to vector<256x64xi32>
    %convert_element_type3A_52 = arith.sitofp %convert_element_type3A_51 : vector<256x64xi32> to vector<256x64xf32>
    %get3A_53 = arith.constant 0 : index
    %get3A_54 = arith.constant 0 : index
    %get3A_55 = arith.constant 0 : index
    %get3A_56 = vector.load %arg5[%get3A_53, %get3A_54, %get3A_55] : memref<1x64x256xf32, #tpu.memory_space<vmem>>, vector<1x64x256xf32>
    %get3A_57 = vector.shape_cast %get3A_56 : vector<1x64x256xf32> to vector<64x256xf32>
    %dot_general3A_58 = arith.constant dense<0.000000e+00> : vector<64x64xf32>
    %dot_general3A_59 = tpu.matmul %get3A_57, %convert_element_type3A_52, %dot_general3A_58 {dimension_numbers = #tpu.dot_dimension_numbers<[1], [0], [0], [1], [0, 0, 1, 1], [], []>, transpose_lhs_hint = false} : vector<64x256xf32>, vector<256x64xf32>, vector<64x64xf32> -> vector<64x64xf32>
    %swap3A_60 = arith.constant 2 : index
    %swap3A_61 = arith.constant 0 : index
    %swap3A_62 = arith.constant 0 : index
    %swap3A_63 = vector.load %arg35[%swap3A_60, %swap3A_61, %swap3A_62] : memref<32x64x64xf32, #tpu.memory_space<vmem>>, vector<1x64x64xf32>
    %swap3A_64 = vector.shape_cast %swap3A_63 : vector<1x64x64xf32> to vector<64x64xf32>
    %swap3A_65 = vector.shape_cast %dot_general3A_59 : vector<64x64xf32> to vector<1x64x64xf32>
    tpu.vector_store %arg35[%swap3A_60, %swap3A_61, %swap3A_62], %swap3A_65 {strides = array<i32>} : memref<32x64x64xf32, #tpu.memory_space<vmem>>, vector<1x64x64xf32>,
    %mul3A_66 = arith.constant 32 : i32
    %mul3A_67 = arith.muli %arg0, %mul3A_66 : i32
    %add3A_68 = arith.constant 3 : i32
    %add3A_69 = arith.addi %mul3A_67, %add3A_68 : i32
    %get3A_70 = arith.index_cast %add3A_69 : i32 to index
    %get3A_71 = memref.load %arg2[%get3A_70] : memref<512xi32, #tpu.memory_space<smem>>
    %add3A_72 = vector.broadcast %get3A_71 : i32 to vector<256x64xi32>
    %add3A_73 = arith.addi %iota3A_0, %add3A_72 : vector<256x64xi32>
    %eq3A_74 = arith.cmpi eq, %iota3A, %add3A_73 : vector<256x64xi32>
    %convert_element_type3A_75 = arith.extui %eq3A_74 : vector<256x64xi1> to vector<256x64xi32>
    %convert_element_type3A_76 = arith.sitofp %convert_element_type3A_75 : vector<256x64xi32> to vector<256x64xf32>
    %get3A_77 = arith.constant 0 : index
    %get3A_78 = arith.constant 0 : index
    %get3A_79 = arith.constant 0 : index
    %get3A_80 = vector.load %arg6[%get3A_77, %get3A_78, %get3A_79] : memref<1x64x256xf32, #tpu.memory_space<vmem>>, vector<1x64x256xf32>
    %get3A_81 = vector.shape_cast %get3A_80 : vector<1x64x256xf32> to vector<64x256xf32>
    %dot_general3A_82 = arith.constant dense<0.000000e+00> : vector<64x64xf32>
    %dot_general3A_83 = tpu.matmul %get3A_81, %convert_element_type3A_76, %dot_general3A_82 {dimension_numbers = #tpu.dot_dimension_numbers<[1], [0], [0], [1], [0, 0, 1, 1], [], []>, transpose_lhs_hint = false} : vector<64x256xf32>, vector<256x64xf32>, vector<64x64xf32> -> vector<64x64xf32>
    %swap3A_84 = arith.constant 3 : index
    %swap3A_85 = arith.constant 0 : index
    %swap3A_86 = arith.constant 0 : index
    %swap3A_87 = vector.load %arg35[%swap3A_84, %swap3A_85, %swap3A_86] : memref<32x64x64xf32, #tpu.memory_space<vmem>>, vector<1x64x64xf32>
    %swap3A_88 = vector.shape_cast %swap3A_87 : vector<1x64x64xf32> to vector<64x64xf32>
    %swap3A_89 = vector.shape_cast %dot_general3A_83 : vector<64x64xf32> to vector<1x64x64xf32>
    tpu.vector_store %arg35[%swap3A_84, %swap3A_85, %swap3A_86], %swap3A_89 {strides = array<i32>} : memref<32x64x64xf32, #tpu.memory_space<vmem>>, vector<1x64x64xf32>,
    %mul3A_90 = arith.constant 32 : i32
    %mul3A_91 = arith.muli %arg0, %mul3A_90 : i32
    %add3A_92 = arith.constant 4 : i32
    %add3A_93 = arith.addi %mul3A_91, %add3A_92 : i32
    %get3A_94 = arith.index_cast %add3A_93 : i32 to index
    %get3A_95 = memref.load %arg2[%get3A_94] : memref<512xi32, #tpu.memory_space<smem>>
    %add3A_96 = vector.broadcast %get3A_95 : i32 to vector<256x64xi32>
    %add3A_97 = arith.addi %iota3A_0, %add3A_96 : vector<256x64xi32>
    %eq3A_98 = arith.cmpi eq, %iota3A, %add3A_97 : vector<256x64xi32>
    %convert_element_type3A_99 = arith.extui %eq3A_98 : vector<256x64xi1> to vector<256x64xi32>
    %convert_element_type3A_100 = arith.sitofp %convert_element_type3A_99 : vector<256x64xi32> to vector<256x64xf32>
    %get3A_101 = arith.constant 0 : index
    %get3A_102 = arith.constant 0 : index
    %get3A_103 = arith.constant 0 : index
    %get3A_104 = vector.load %arg7[%get3A_101, %get3A_102, %get3A_103] : memref<1x64x256xf32, #tpu.memory_space<vmem>>, vector<1x64x256xf32>
    %get3A_105 = vector.shape_cast %get3A_104 : vector<1x64x256xf32> to vector<64x256xf32>
    %dot_general3A_106 = arith.constant dense<0.000000e+00> : vector<64x64xf32>
    %dot_general3A_107 = tpu.matmul %get3A_105, %convert_element_type3A_100, %dot_general3A_106 {dimension_numbers = #tpu.dot_dimension_numbers<[1], [0], [0], [1], [0, 0, 1, 1], [], []>, transpose_lhs_hint = false} : vector<64x256xf32>, vector<256x64xf32>, vector<64x64xf32> -> vector<64x64xf32>
    %swap3A_108 = arith.constant 4 : index
    %swap3A_109 = arith.constant 0 : index
    %swap3A_110 = arith.constant 0 : index
    %swap3A_111 = vector.load %arg35[%swap3A_108, %swap3A_109, %swap3A_110] : memref<32x64x64xf32, #tpu.memory_space<vmem>>, vector<1x64x64xf32>
    %swap3A_112 = vector.shape_cast %swap3A_111 : vector<1x64x64xf32> to vector<64x64xf32>
    %swap3A_113 = vector.shape_cast %dot_general3A_107 : vector<64x64xf32> to vector<1x64x64xf32>
    tpu.vector_store %arg35[%swap3A_108, %swap3A_109, %swap3A_110], %swap3A_113 {strides = array<i32>} : memref<32x64x64xf32, #tpu.memory_space<vmem>>, vector<1x64x64xf32>,
    %mul3A_114 = arith.constant 32 : i32
    %mul3A_115 = arith.muli %arg0, %mul3A_114 : i32
    %add3A_116 = arith.constant 5 : i32
    %add3A_117 = arith.addi %mul3A_115, %add3A_116 : i32
    %get3A_118 = arith.index_cast %add3A_117 : i32 to index
    %get3A_119 = memref.load %arg2[%get3A_118] : memref<512xi32, #tpu.memory_space<smem>>
    %add3A_120 = vector.broadcast %get3A_119 : i32 to vector<256x64xi32>
    %add3A_121 = arith.addi %iota3A_0, %add3A_120 : vector<256x64xi32>
    %eq3A_122 = arith.cmpi eq, %iota3A, %add3A_121 : vector<256x64xi32>
    %convert_element_type3A_123 = arith.extui %eq3A_122 : vector<256x64xi1> to vector<256x64xi32>
    %convert_element_type3A_124 = arith.sitofp %convert_element_type3A_123 : vector<256x64xi32> to vector<256x64xf32>
    %get3A_125 = arith.constant 0 : index
    %get3A_126 = arith.constant 0 : index
    %get3A_127 = arith.constant 0 : index
    %get3A_128 = vector.load %arg8[%get3A_125, %get3A_126, %get3A_127] : memref<1x64x256xf32, #tpu.memory_space<vmem>>, vector<1x64x256xf32>
    %get3A_129 = vector.shape_cast %get3A_128 : vector<1x64x256xf32> to vector<64x256xf32>
    %dot_general3A_130 = arith.constant dense<0.000000e+00> : vector<64x64xf32>
    %dot_general3A_131 = tpu.matmul %get3A_129, %convert_element_type3A_124, %dot_general3A_130 {dimension_numbers = #tpu.dot_dimension_numbers<[1], [0], [0], [1], [0, 0, 1, 1], [], []>, transpose_lhs_hint = false} : vector<64x256xf32>, vector<256x64xf32>, vector<64x64xf32> -> vector<64x64xf32>
    %swap3A_132 = arith.constant 5 : index
    %swap3A_133 = arith.constant 0 : index
    %swap3A_134 = arith.constant 0 : index
    %swap3A_135 = vector.load %arg35[%swap3A_132, %swap3A_133, %swap3A_134] : memref<32x64x64xf32, #tpu.memory_space<vmem>>, vector<1x64x64xf32>
    %swap3A_136 = vector.shape_cast %swap3A_135 : vector<1x64x64xf32> to vector<64x64xf32>
    %swap3A_137 = vector.shape_cast %dot_general3A_131 : vector<64x64xf32> to vector<1x64x64xf32>
    tpu.vector_store %arg35[%swap3A_132, %swap3A_133, %swap3A_134], %swap3A_137 {strides = array<i32>} : memref<32x64x64xf32, #tpu.memory_space<vmem>>, vector<1x64x64xf32>,
    %mul3A_138 = arith.constant 32 : i32
    %mul3A_139 = arith.muli %arg0, %mul3A_138 : i32
    %add3A_140 = arith.constant 6 : i32
    %add3A_141 = arith.addi %mul3A_139, %add3A_140 : i32
    %get3A_142 = arith.index_cast %add3A_141 : i32 to index
    %get3A_143 = memref.load %arg2[%get3A_142] : memref<512xi32, #tpu.memory_space<smem>>
    %add3A_144 = vector.broadcast %get3A_143 : i32 to vector<256x64xi32>
    %add3A_145 = arith.addi %iota3A_0, %add3A_144 : vector<256x64xi32>
    %eq3A_146 = arith.cmpi eq, %iota3A, %add3A_145 : vector<256x64xi32>
    %convert_element_type3A_147 = arith.extui %eq3A_146 : vector<256x64xi1> to vector<256x64xi32>
    %convert_element_type3A_148 = arith.sitofp %convert_element_type3A_147 : vector<256x64xi32> to vector<256x64xf32>
    %get3A_149 = arith.constant 0 : index
    %get3A_150 = arith.constant 0 : index
    %get3A_151 = arith.constant 0 : index
    %get3A_152 = vector.load %arg9[%get3A_149, %get3A_150, %get3A_151] : memref<1x64x256xf32, #tpu.memory_space<vmem>>, vector<1x64x256xf32>
    %get3A_153 = vector.shape_cast %get3A_152 : vector<1x64x256xf32> to vector<64x256xf32>
    %dot_general3A_154 = arith.constant dense<0.000000e+00> : vector<64x64xf32>
    %dot_general3A_155 = tpu.matmul %get3A_153, %convert_element_type3A_148, %dot_general3A_154 {dimension_numbers = #tpu.dot_dimension_numbers<[1], [0], [0], [1], [0, 0, 1, 1], [], []>, transpose_lhs_hint = false} : vector<64x256xf32>, vector<256x64xf32>, vector<64x64xf32> -> vector<64x64xf32>
    %swap3A_156 = arith.constant 6 : index
    %swap3A_157 = arith.constant 0 : index
    %swap3A_158 = arith.constant 0 : index
    %swap3A_159 = vector.load %arg35[%swap3A_156, %swap3A_157, %swap3A_158] : memref<32x64x64xf32, #tpu.memory_space<vmem>>, vector<1x64x64xf32>
    %swap3A_160 = vector.shape_cast %swap3A_159 : vector<1x64x64xf32> to vector<64x64xf32>
    %swap3A_161 = vector.shape_cast %dot_general3A_155 : vector<64x64xf32> to vector<1x64x64xf32>
    tpu.vector_store %arg35[%swap3A_156, %swap3A_157, %swap3A_158], %swap3A_161 {strides = array<i32>} : memref<32x64x64xf32, #tpu.memory_space<vmem>>, vector<1x64x64xf32>,
    %mul3A_162 = arith.constant 32 : i32
    %mul3A_163 = arith.muli %arg0, %mul3A_162 : i32
    %add3A_164 = arith.constant 7 : i32
    %add3A_165 = arith.addi %mul3A_163, %add3A_164 : i32
    %get3A_166 = arith.index_cast %add3A_165 : i32 to index
    %get3A_167 = memref.load %arg2[%get3A_166] : memref<512xi32, #tpu.memory_space<smem>>
    %add3A_168 = vector.broadcast %get3A_167 : i32 to vector<256x64xi32>
    %add3A_169 = arith.addi %iota3A_0, %add3A_168 : vector<256x64xi32>
    %eq3A_170 = arith.cmpi eq, %iota3A, %add3A_169 : vector<256x64xi32>
    %convert_element_type3A_171 = arith.extui %eq3A_170 : vector<256x64xi1> to vector<256x64xi32>
    %convert_element_type3A_172 = arith.sitofp %convert_element_type3A_171 : vector<256x64xi32> to vector<256x64xf32>
    %get3A_173 = arith.constant 0 : index
    %get3A_174 = arith.constant 0 : index
    %get3A_175 = arith.constant 0 : index
    %get3A_176 = vector.load %arg10[%get3A_173, %get3A_174, %get3A_175] : memref<1x64x256xf32, #tpu.memory_space<vmem>>, vector<1x64x256xf32>
    %get3A_177 = vector.shape_cast %get3A_176 : vector<1x64x256xf32> to vector<64x256xf32>
    %dot_general3A_178 = arith.constant dense<0.000000e+00> : vector<64x64xf32>
    %dot_general3A_179 = tpu.matmul %get3A_177, %convert_element_type3A_172, %dot_general3A_178 {dimension_numbers = #tpu.dot_dimension_numbers<[1], [0], [0], [1], [0, 0, 1, 1], [], []>, transpose_lhs_hint = false} : vector<64x256xf32>, vector<256x64xf32>, vector<64x64xf32> -> vector<64x64xf32>
    %swap3A_180 = arith.constant 7 : index
    %swap3A_181 = arith.constant 0 : index
    %swap3A_182 = arith.constant 0 : index
    %swap3A_183 = vector.load %arg35[%swap3A_180, %swap3A_181, %swap3A_182] : memref<32x64x64xf32, #tpu.memory_space<vmem>>, vector<1x64x64xf32>
    %swap3A_184 = vector.shape_cast %swap3A_183 : vector<1x64x64xf32> to vector<64x64xf32>
    %swap3A_185 = vector.shape_cast %dot_general3A_179 : vector<64x64xf32> to vector<1x64x64xf32>
    tpu.vector_store %arg35[%swap3A_180, %swap3A_181, %swap3A_182], %swap3A_185 {strides = array<i32>} : memref<32x64x64xf32, #tpu.memory_space<vmem>>, vector<1x64x64xf32>,
    %mul3A_186 = arith.constant 32 : i32
    %mul3A_187 = arith.muli %arg0, %mul3A_186 : i32
    %add3A_188 = arith.constant 8 : i32
    %add3A_189 = arith.addi %mul3A_187, %add3A_188 : i32
    %get3A_190 = arith.index_cast %add3A_189 : i32 to index
    %get3A_191 = memref.load %arg2[%get3A_190] : memref<512xi32, #tpu.memory_space<smem>>
    %add3A_192 = vector.broadcast %get3A_191 : i32 to vector<256x64xi32>
    %add3A_193 = arith.addi %iota3A_0, %add3A_192 : vector<256x64xi32>
    %eq3A_194 = arith.cmpi eq, %iota3A, %add3A_193 : vector<256x64xi32>
    %convert_element_type3A_195 = arith.extui %eq3A_194 : vector<256x64xi1> to vector<256x64xi32>
    %convert_element_type3A_196 = arith.sitofp %convert_element_type3A_195 : vector<256x64xi32> to vector<256x64xf32>
    %get3A_197 = arith.constant 0 : index
    %get3A_198 = arith.constant 0 : index
    %get3A_199 = arith.constant 0 : index
    %get3A_200 = vector.load %arg11[%get3A_197, %get3A_198, %get3A_199] : memref<1x64x256xf32, #tpu.memory_space<vmem>>, vector<1x64x256xf32>
    %get3A_201 = vector.shape_cast %get3A_200 : vector<1x64x256xf32> to vector<64x256xf32>
    %dot_general3A_202 = arith.constant dense<0.000000e+00> : vector<64x64xf32>
    %dot_general3A_203 = tpu.matmul %get3A_201, %convert_element_type3A_196, %dot_general3A_202 {dimension_numbers = #tpu.dot_dimension_numbers<[1], [0], [0], [1], [0, 0, 1, 1], [], []>, transpose_lhs_hint = false} : vector<64x256xf32>, vector<256x64xf32>, vector<64x64xf32> -> vector<64x64xf32>
    %swap3A_204 = arith.constant 8 : index
    %swap3A_205 = arith.constant 0 : index
    %swap3A_206 = arith.constant 0 : index
    %swap3A_207 = vector.load %arg35[%swap3A_204, %swap3A_205, %swap3A_206] : memref<32x64x64xf32, #tpu.memory_space<vmem>>, vector<1x64x64xf32>
    %swap3A_208 = vector.shape_cast %swap3A_207 : vector<1x64x64xf32> to vector<64x64xf32>
    %swap3A_209 = vector.shape_cast %dot_general3A_203 : vector<64x64xf32> to vector<1x64x64xf32>
    tpu.vector_store %arg35[%swap3A_204, %swap3A_205, %swap3A_206], %swap3A_209 {strides = array<i32>} : memref<32x64x64xf32, #tpu.memory_space<vmem>>, vector<1x64x64xf32>,
    %mul3A_210 = arith.constant 32 : i32
    %mul3A_211 = arith.muli %arg0, %mul3A_210 : i32
    %add3A_212 = arith.constant 9 : i32
    %add3A_213 = arith.addi %mul3A_211, %add3A_212 : i32
    %get3A_214 = arith.index_cast %add3A_213 : i32 to index
    %get3A_215 = memref.load %arg2[%get3A_214] : memref<512xi32, #tpu.memory_space<smem>>
    %add3A_216 = vector.broadcast %get3A_215 : i32 to vector<256x64xi32>
    %add3A_217 = arith.addi %iota3A_0, %add3A_216 : vector<256x64xi32>
    %eq3A_218 = arith.cmpi eq, %iota3A, %add3A_217 : vector<256x64xi32>
    %convert_element_type3A_219 = arith.extui %eq3A_218 : vector<256x64xi1> to vector<256x64xi32>
    %convert_element_type3A_220 = arith.sitofp %convert_element_type3A_219 : vector<256x64xi32> to vector<256x64xf32>
    %get3A_221 = arith.constant 0 : index
    %get3A_222 = arith.constant 0 : index
    %get3A_223 = arith.constant 0 : index
    %get3A_224 = vector.load %arg12[%get3A_221, %get3A_222, %get3A_223] : memref<1x64x256xf32, #tpu.memory_space<vmem>>, vector<1x64x256xf32>
    %get3A_225 = vector.shape_cast %get3A_224 : vector<1x64x256xf32> to vector<64x256xf32>
    %dot_general3A_226 = arith.constant dense<0.000000e+00> : vector<64x64xf32>
    %dot_general3A_227 = tpu.matmul %get3A_225, %convert_element_type3A_220, %dot_general3A_226 {dimension_numbers = #tpu.dot_dimension_numbers<[1], [0], [0], [1], [0, 0, 1, 1], [], []>, transpose_lhs_hint = false} : vector<64x256xf32>, vector<256x64xf32>, vector<64x64xf32> -> vector<64x64xf32>
    %swap3A_228 = arith.constant 9 : index
    %swap3A_229 = arith.constant 0 : index
    %swap3A_230 = arith.constant 0 : index
    %swap3A_231 = vector.load %arg35[%swap3A_228, %swap3A_229, %swap3A_230] : memref<32x64x64xf32, #tpu.memory_space<vmem>>, vector<1x64x64xf32>
    %swap3A_232 = vector.shape_cast %swap3A_231 : vector<1x64x64xf32> to vector<64x64xf32>
    %swap3A_233 = vector.shape_cast %dot_general3A_227 : vector<64x64xf32> to vector<1x64x64xf32>
    tpu.vector_store %arg35[%swap3A_228, %swap3A_229, %swap3A_230], %swap3A_233 {strides = array<i32>} : memref<32x64x64xf32, #tpu.memory_space<vmem>>, vector<1x64x64xf32>,
    %mul3A_234 = arith.constant 32 : i32
    %mul3A_235 = arith.muli %arg0, %mul3A_234 : i32
    %add3A_236 = arith.constant 10 : i32
    %add3A_237 = arith.addi %mul3A_235, %add3A_236 : i32
    %get3A_238 = arith.index_cast %add3A_237 : i32 to index
    %get3A_239 = memref.load %arg2[%get3A_238] : memref<512xi32, #tpu.memory_space<smem>>
    %add3A_240 = vector.broadcast %get3A_239 : i32 to vector<256x64xi32>
    %add3A_241 = arith.addi %iota3A_0, %add3A_240 : vector<256x64xi32>
    %eq3A_242 = arith.cmpi eq, %iota3A, %add3A_241 : vector<256x64xi32>
    %convert_element_type3A_243 = arith.extui %eq3A_242 : vector<256x64xi1> to vector<256x64xi32>
    %convert_element_type3A_244 = arith.sitofp %convert_element_type3A_243 : vector<256x64xi32> to vector<256x64xf32>
    %get3A_245 = arith.constant 0 : index
    %get3A_246 = arith.constant 0 : index
    %get3A_247 = arith.constant 0 : index
    %get3A_248 = vector.load %arg13[%get3A_245, %get3A_246, %get3A_247] : memref<1x64x256xf32, #tpu.memory_space<vmem>>, vector<1x64x256xf32>
    %get3A_249 = vector.shape_cast %get3A_248 : vector<1x64x256xf32> to vector<64x256xf32>
    %dot_general3A_250 = arith.constant dense<0.000000e+00> : vector<64x64xf32>
    %dot_general3A_251 = tpu.matmul %get3A_249, %convert_element_type3A_244, %dot_general3A_250 {dimension_numbers = #tpu.dot_dimension_numbers<[1], [0], [0], [1], [0, 0, 1, 1], [], []>, transpose_lhs_hint = false} : vector<64x256xf32>, vector<256x64xf32>, vector<64x64xf32> -> vector<64x64xf32>
    %swap3A_252 = arith.constant 10 : index
    %swap3A_253 = arith.constant 0 : index
    %swap3A_254 = arith.constant 0 : index
    %swap3A_255 = vector.load %arg35[%swap3A_252, %swap3A_253, %swap3A_254] : memref<32x64x64xf32, #tpu.memory_space<vmem>>, vector<1x64x64xf32>
    %swap3A_256 = vector.shape_cast %swap3A_255 : vector<1x64x64xf32> to vector<64x64xf32>
    %swap3A_257 = vector.shape_cast %dot_general3A_251 : vector<64x64xf32> to vector<1x64x64xf32>
    tpu.vector_store %arg35[%swap3A_252, %swap3A_253, %swap3A_254], %swap3A_257 {strides = array<i32>} : memref<32x64x64xf32, #tpu.memory_space<vmem>>, vector<1x64x64xf32>,
    %mul3A_258 = arith.constant 32 : i32
    %mul3A_259 = arith.muli %arg0, %mul3A_258 : i32
    %add3A_260 = arith.constant 11 : i32
    %add3A_261 = arith.addi %mul3A_259, %add3A_260 : i32
    %get3A_262 = arith.index_cast %add3A_261 : i32 to index
    %get3A_263 = memref.load %arg2[%get3A_262] : memref<512xi32, #tpu.memory_space<smem>>
    %add3A_264 = vector.broadcast %get3A_263 : i32 to vector<256x64xi32>
    %add3A_265 = arith.addi %iota3A_0, %add3A_264 : vector<256x64xi32>
    %eq3A_266 = arith.cmpi eq, %iota3A, %add3A_265 : vector<256x64xi32>
    %convert_element_type3A_267 = arith.extui %eq3A_266 : vector<256x64xi1> to vector<256x64xi32>
    %convert_element_type3A_268 = arith.sitofp %convert_element_type3A_267 : vector<256x64xi32> to vector<256x64xf32>
    %get3A_269 = arith.constant 0 : index
    %get3A_270 = arith.constant 0 : index
    %get3A_271 = arith.constant 0 : index
    %get3A_272 = vector.load %arg14[%get3A_269, %get3A_270, %get3A_271] : memref<1x64x256xf32, #tpu.memory_space<vmem>>, vector<1x64x256xf32>
    %get3A_273 = vector.shape_cast %get3A_272 : vector<1x64x256xf32> to vector<64x256xf32>
    %dot_general3A_274 = arith.constant dense<0.000000e+00> : vector<64x64xf32>
    %dot_general3A_275 = tpu.matmul %get3A_273, %convert_element_type3A_268, %dot_general3A_274 {dimension_numbers = #tpu.dot_dimension_numbers<[1], [0], [0], [1], [0, 0, 1, 1], [], []>, transpose_lhs_hint = false} : vector<64x256xf32>, vector<256x64xf32>, vector<64x64xf32> -> vector<64x64xf32>
    %swap3A_276 = arith.constant 11 : index
    %swap3A_277 = arith.constant 0 : index
    %swap3A_278 = arith.constant 0 : index
    %swap3A_279 = vector.load %arg35[%swap3A_276, %swap3A_277, %swap3A_278] : memref<32x64x64xf32, #tpu.memory_space<vmem>>, vector<1x64x64xf32>
    %swap3A_280 = vector.shape_cast %swap3A_279 : vector<1x64x64xf32> to vector<64x64xf32>
    %swap3A_281 = vector.shape_cast %dot_general3A_275 : vector<64x64xf32> to vector<1x64x64xf32>
    tpu.vector_store %arg35[%swap3A_276, %swap3A_277, %swap3A_278], %swap3A_281 {strides = array<i32>} : memref<32x64x64xf32, #tpu.memory_space<vmem>>, vector<1x64x64xf32>,
    %mul3A_282 = arith.constant 32 : i32
    %mul3A_283 = arith.muli %arg0, %mul3A_282 : i32
    %add3A_284 = arith.constant 12 : i32
    %add3A_285 = arith.addi %mul3A_283, %add3A_284 : i32
    %get3A_286 = arith.index_cast %add3A_285 : i32 to index
    %get3A_287 = memref.load %arg2[%get3A_286] : memref<512xi32, #tpu.memory_space<smem>>
    %add3A_288 = vector.broadcast %get3A_287 : i32 to vector<256x64xi32>
    %add3A_289 = arith.addi %iota3A_0, %add3A_288 : vector<256x64xi32>
    %eq3A_290 = arith.cmpi eq, %iota3A, %add3A_289 : vector<256x64xi32>
    %convert_element_type3A_291 = arith.extui %eq3A_290 : vector<256x64xi1> to vector<256x64xi32>
    %convert_element_type3A_292 = arith.sitofp %convert_element_type3A_291 : vector<256x64xi32> to vector<256x64xf32>
    %get3A_293 = arith.constant 0 : index
    %get3A_294 = arith.constant 0 : index
    %get3A_295 = arith.constant 0 : index
    %get3A_296 = vector.load %arg15[%get3A_293, %get3A_294, %get3A_295] : memref<1x64x256xf32, #tpu.memory_space<vmem>>, vector<1x64x256xf32>
    %get3A_297 = vector.shape_cast %get3A_296 : vector<1x64x256xf32> to vector<64x256xf32>
    %dot_general3A_298 = arith.constant dense<0.000000e+00> : vector<64x64xf32>
    %dot_general3A_299 = tpu.matmul %get3A_297, %convert_element_type3A_292, %dot_general3A_298 {dimension_numbers = #tpu.dot_dimension_numbers<[1], [0], [0], [1], [0, 0, 1, 1], [], []>, transpose_lhs_hint = false} : vector<64x256xf32>, vector<256x64xf32>, vector<64x64xf32> -> vector<64x64xf32>
    %swap3A_300 = arith.constant 12 : index
    %swap3A_301 = arith.constant 0 : index
    %swap3A_302 = arith.constant 0 : index
    %swap3A_303 = vector.load %arg35[%swap3A_300, %swap3A_301, %swap3A_302] : memref<32x64x64xf32, #tpu.memory_space<vmem>>, vector<1x64x64xf32>
    %swap3A_304 = vector.shape_cast %swap3A_303 : vector<1x64x64xf32> to vector<64x64xf32>
    %swap3A_305 = vector.shape_cast %dot_general3A_299 : vector<64x64xf32> to vector<1x64x64xf32>
    tpu.vector_store %arg35[%swap3A_300, %swap3A_301, %swap3A_302], %swap3A_305 {strides = array<i32>} : memref<32x64x64xf32, #tpu.memory_space<vmem>>, vector<1x64x64xf32>,
    %mul3A_306 = arith.constant 32 : i32
    %mul3A_307 = arith.muli %arg0, %mul3A_306 : i32
    %add3A_308 = arith.constant 13 : i32
    %add3A_309 = arith.addi %mul3A_307, %add3A_308 : i32
    %get3A_310 = arith.index_cast %add3A_309 : i32 to index
    %get3A_311 = memref.load %arg2[%get3A_310] : memref<512xi32, #tpu.memory_space<smem>>
    %add3A_312 = vector.broadcast %get3A_311 : i32 to vector<256x64xi32>
    %add3A_313 = arith.addi %iota3A_0, %add3A_312 : vector<256x64xi32>
    %eq3A_314 = arith.cmpi eq, %iota3A, %add3A_313 : vector<256x64xi32>
    %convert_element_type3A_315 = arith.extui %eq3A_314 : vector<256x64xi1> to vector<256x64xi32>
    %convert_element_type3A_316 = arith.sitofp %convert_element_type3A_315 : vector<256x64xi32> to vector<256x64xf32>
    %get3A_317 = arith.constant 0 : index
    %get3A_318 = arith.constant 0 : index
    %get3A_319 = arith.constant 0 : index
    %get3A_320 = vector.load %arg16[%get3A_317, %get3A_318, %get3A_319] : memref<1x64x256xf32, #tpu.memory_space<vmem>>, vector<1x64x256xf32>
    %get3A_321 = vector.shape_cast %get3A_320 : vector<1x64x256xf32> to vector<64x256xf32>
    %dot_general3A_322 = arith.constant dense<0.000000e+00> : vector<64x64xf32>
    %dot_general3A_323 = tpu.matmul %get3A_321, %convert_element_type3A_316, %dot_general3A_322 {dimension_numbers = #tpu.dot_dimension_numbers<[1], [0], [0], [1], [0, 0, 1, 1], [], []>, transpose_lhs_hint = false} : vector<64x256xf32>, vector<256x64xf32>, vector<64x64xf32> -> vector<64x64xf32>
    %swap3A_324 = arith.constant 13 : index
    %swap3A_325 = arith.constant 0 : index
    %swap3A_326 = arith.constant 0 : index
    %swap3A_327 = vector.load %arg35[%swap3A_324, %swap3A_325, %swap3A_326] : memref<32x64x64xf32, #tpu.memory_space<vmem>>, vector<1x64x64xf32>
    %swap3A_328 = vector.shape_cast %swap3A_327 : vector<1x64x64xf32> to vector<64x64xf32>
    %swap3A_329 = vector.shape_cast %dot_general3A_323 : vector<64x64xf32> to vector<1x64x64xf32>
    tpu.vector_store %arg35[%swap3A_324, %swap3A_325, %swap3A_326], %swap3A_329 {strides = array<i32>} : memref<32x64x64xf32, #tpu.memory_space<vmem>>, vector<1x64x64xf32>,
    %mul3A_330 = arith.constant 32 : i32
    %mul3A_331 = arith.muli %arg0, %mul3A_330 : i32
    %add3A_332 = arith.constant 14 : i32
    %add3A_333 = arith.addi %mul3A_331, %add3A_332 : i32
    %get3A_334 = arith.index_cast %add3A_333 : i32 to index
    %get3A_335 = memref.load %arg2[%get3A_334] : memref<512xi32, #tpu.memory_space<smem>>
    %add3A_336 = vector.broadcast %get3A_335 : i32 to vector<256x64xi32>
    %add3A_337 = arith.addi %iota3A_0, %add3A_336 : vector<256x64xi32>
    %eq3A_338 = arith.cmpi eq, %iota3A, %add3A_337 : vector<256x64xi32>
    %convert_element_type3A_339 = arith.extui %eq3A_338 : vector<256x64xi1> to vector<256x64xi32>
    %convert_element_type3A_340 = arith.sitofp %convert_element_type3A_339 : vector<256x64xi32> to vector<256x64xf32>
    %get3A_341 = arith.constant 0 : index
    %get3A_342 = arith.constant 0 : index
    %get3A_343 = arith.constant 0 : index
    %get3A_344 = vector.load %arg17[%get3A_341, %get3A_342, %get3A_343] : memref<1x64x256xf32, #tpu.memory_space<vmem>>, vector<1x64x256xf32>
    %get3A_345 = vector.shape_cast %get3A_344 : vector<1x64x256xf32> to vector<64x256xf32>
    %dot_general3A_346 = arith.constant dense<0.000000e+00> : vector<64x64xf32>
    %dot_general3A_347 = tpu.matmul %get3A_345, %convert_element_type3A_340, %dot_general3A_346 {dimension_numbers = #tpu.dot_dimension_numbers<[1], [0], [0], [1], [0, 0, 1, 1], [], []>, transpose_lhs_hint = false} : vector<64x256xf32>, vector<256x64xf32>, vector<64x64xf32> -> vector<64x64xf32>
    %swap3A_348 = arith.constant 14 : index
    %swap3A_349 = arith.constant 0 : index
    %swap3A_350 = arith.constant 0 : index
    %swap3A_351 = vector.load %arg35[%swap3A_348, %swap3A_349, %swap3A_350] : memref<32x64x64xf32, #tpu.memory_space<vmem>>, vector<1x64x64xf32>
    %swap3A_352 = vector.shape_cast %swap3A_351 : vector<1x64x64xf32> to vector<64x64xf32>
    %swap3A_353 = vector.shape_cast %dot_general3A_347 : vector<64x64xf32> to vector<1x64x64xf32>
    tpu.vector_store %arg35[%swap3A_348, %swap3A_349, %swap3A_350], %swap3A_353 {strides = array<i32>} : memref<32x64x64xf32, #tpu.memory_space<vmem>>, vector<1x64x64xf32>,
    %mul3A_354 = arith.constant 32 : i32
    %mul3A_355 = arith.muli %arg0, %mul3A_354 : i32
    %add3A_356 = arith.constant 15 : i32
    %add3A_357 = arith.addi %mul3A_355, %add3A_356 : i32
    %get3A_358 = arith.index_cast %add3A_357 : i32 to index
    %get3A_359 = memref.load %arg2[%get3A_358] : memref<512xi32, #tpu.memory_space<smem>>
    %add3A_360 = vector.broadcast %get3A_359 : i32 to vector<256x64xi32>
    %add3A_361 = arith.addi %iota3A_0, %add3A_360 : vector<256x64xi32>
    %eq3A_362 = arith.cmpi eq, %iota3A, %add3A_361 : vector<256x64xi32>
    %convert_element_type3A_363 = arith.extui %eq3A_362 : vector<256x64xi1> to vector<256x64xi32>
    %convert_element_type3A_364 = arith.sitofp %convert_element_type3A_363 : vector<256x64xi32> to vector<256x64xf32>
    %get3A_365 = arith.constant 0 : index
    %get3A_366 = arith.constant 0 : index
    %get3A_367 = arith.constant 0 : index
    %get3A_368 = vector.load %arg18[%get3A_365, %get3A_366, %get3A_367] : memref<1x64x256xf32, #tpu.memory_space<vmem>>, vector<1x64x256xf32>
    %get3A_369 = vector.shape_cast %get3A_368 : vector<1x64x256xf32> to vector<64x256xf32>
    %dot_general3A_370 = arith.constant dense<0.000000e+00> : vector<64x64xf32>
    %dot_general3A_371 = tpu.matmul %get3A_369, %convert_element_type3A_364, %dot_general3A_370 {dimension_numbers = #tpu.dot_dimension_numbers<[1], [0], [0], [1], [0, 0, 1, 1], [], []>, transpose_lhs_hint = false} : vector<64x256xf32>, vector<256x64xf32>, vector<64x64xf32> -> vector<64x64xf32>
    %swap3A_372 = arith.constant 15 : index
    %swap3A_373 = arith.constant 0 : index
    %swap3A_374 = arith.constant 0 : index
    %swap3A_375 = vector.load %arg35[%swap3A_372, %swap3A_373, %swap3A_374] : memref<32x64x64xf32, #tpu.memory_space<vmem>>, vector<1x64x64xf32>
    %swap3A_376 = vector.shape_cast %swap3A_375 : vector<1x64x64xf32> to vector<64x64xf32>
    %swap3A_377 = vector.shape_cast %dot_general3A_371 : vector<64x64xf32> to vector<1x64x64xf32>
    tpu.vector_store %arg35[%swap3A_372, %swap3A_373, %swap3A_374], %swap3A_377 {strides = array<i32>} : memref<32x64x64xf32, #tpu.memory_space<vmem>>, vector<1x64x64xf32>,
    %mul3A_378 = arith.constant 32 : i32
    %mul3A_379 = arith.muli %arg0, %mul3A_378 : i32
    %add3A_380 = arith.constant 16 : i32
    %add3A_381 = arith.addi %mul3A_379, %add3A_380 : i32
    %get3A_382 = arith.index_cast %add3A_381 : i32 to index
    %get3A_383 = memref.load %arg2[%get3A_382] : memref<512xi32, #tpu.memory_space<smem>>
    %add3A_384 = vector.broadcast %get3A_383 : i32 to vector<256x64xi32>
    %add3A_385 = arith.addi %iota3A_0, %add3A_384 : vector<256x64xi32>
    %eq3A_386 = arith.cmpi eq, %iota3A, %add3A_385 : vector<256x64xi32>
    %convert_element_type3A_387 = arith.extui %eq3A_386 : vector<256x64xi1> to vector<256x64xi32>
    %convert_element_type3A_388 = arith.sitofp %convert_element_type3A_387 : vector<256x64xi32> to vector<256x64xf32>
    %get3A_389 = arith.constant 0 : index
    %get3A_390 = arith.constant 0 : index
    %get3A_391 = arith.constant 0 : index
    %get3A_392 = vector.load %arg19[%get3A_389, %get3A_390, %get3A_391] : memref<1x64x256xf32, #tpu.memory_space<vmem>>, vector<1x64x256xf32>
    %get3A_393 = vector.shape_cast %get3A_392 : vector<1x64x256xf32> to vector<64x256xf32>
    %dot_general3A_394 = arith.constant dense<0.000000e+00> : vector<64x64xf32>
    %dot_general3A_395 = tpu.matmul %get3A_393, %convert_element_type3A_388, %dot_general3A_394 {dimension_numbers = #tpu.dot_dimension_numbers<[1], [0], [0], [1], [0, 0, 1, 1], [], []>, transpose_lhs_hint = false} : vector<64x256xf32>, vector<256x64xf32>, vector<64x64xf32> -> vector<64x64xf32>
    %swap3A_396 = arith.constant 16 : index
    %swap3A_397 = arith.constant 0 : index
    %swap3A_398 = arith.constant 0 : index
    %swap3A_399 = vector.load %arg35[%swap3A_396, %swap3A_397, %swap3A_398] : memref<32x64x64xf32, #tpu.memory_space<vmem>>, vector<1x64x64xf32>
    %swap3A_400 = vector.shape_cast %swap3A_399 : vector<1x64x64xf32> to vector<64x64xf32>
    %swap3A_401 = vector.shape_cast %dot_general3A_395 : vector<64x64xf32> to vector<1x64x64xf32>
    tpu.vector_store %arg35[%swap3A_396, %swap3A_397, %swap3A_398], %swap3A_401 {strides = array<i32>} : memref<32x64x64xf32, #tpu.memory_space<vmem>>, vector<1x64x64xf32>,
    %mul3A_402 = arith.constant 32 : i32
    %mul3A_403 = arith.muli %arg0, %mul3A_402 : i32
    %add3A_404 = arith.constant 17 : i32
    %add3A_405 = arith.addi %mul3A_403, %add3A_404 : i32
    %get3A_406 = arith.index_cast %add3A_405 : i32 to index
    %get3A_407 = memref.load %arg2[%get3A_406] : memref<512xi32, #tpu.memory_space<smem>>
    %add3A_408 = vector.broadcast %get3A_407 : i32 to vector<256x64xi32>
    %add3A_409 = arith.addi %iota3A_0, %add3A_408 : vector<256x64xi32>
    %eq3A_410 = arith.cmpi eq, %iota3A, %add3A_409 : vector<256x64xi32>
    %convert_element_type3A_411 = arith.extui %eq3A_410 : vector<256x64xi1> to vector<256x64xi32>
    %convert_element_type3A_412 = arith.sitofp %convert_element_type3A_411 : vector<256x64xi32> to vector<256x64xf32>
    %get3A_413 = arith.constant 0 : index
    %get3A_414 = arith.constant 0 : index
    %get3A_415 = arith.constant 0 : index
    %get3A_416 = vector.load %arg20[%get3A_413, %get3A_414, %get3A_415] : memref<1x64x256xf32, #tpu.memory_space<vmem>>, vector<1x64x256xf32>
    %get3A_417 = vector.shape_cast %get3A_416 : vector<1x64x256xf32> to vector<64x256xf32>
    %dot_general3A_418 = arith.constant dense<0.000000e+00> : vector<64x64xf32>
    %dot_general3A_419 = tpu.matmul %get3A_417, %convert_element_type3A_412, %dot_general3A_418 {dimension_numbers = #tpu.dot_dimension_numbers<[1], [0], [0], [1], [0, 0, 1, 1], [], []>, transpose_lhs_hint = false} : vector<64x256xf32>, vector<256x64xf32>, vector<64x64xf32> -> vector<64x64xf32>
    %swap3A_420 = arith.constant 17 : index
    %swap3A_421 = arith.constant 0 : index
    %swap3A_422 = arith.constant 0 : index
    %swap3A_423 = vector.load %arg35[%swap3A_420, %swap3A_421, %swap3A_422] : memref<32x64x64xf32, #tpu.memory_space<vmem>>, vector<1x64x64xf32>
    %swap3A_424 = vector.shape_cast %swap3A_423 : vector<1x64x64xf32> to vector<64x64xf32>
    %swap3A_425 = vector.shape_cast %dot_general3A_419 : vector<64x64xf32> to vector<1x64x64xf32>
    tpu.vector_store %arg35[%swap3A_420, %swap3A_421, %swap3A_422], %swap3A_425 {strides = array<i32>} : memref<32x64x64xf32, #tpu.memory_space<vmem>>, vector<1x64x64xf32>,
    %mul3A_426 = arith.constant 32 : i32
    %mul3A_427 = arith.muli %arg0, %mul3A_426 : i32
    %add3A_428 = arith.constant 18 : i32
    %add3A_429 = arith.addi %mul3A_427, %add3A_428 : i32
    %get3A_430 = arith.index_cast %add3A_429 : i32 to index
    %get3A_431 = memref.load %arg2[%get3A_430] : memref<512xi32, #tpu.memory_space<smem>>
    %add3A_432 = vector.broadcast %get3A_431 : i32 to vector<256x64xi32>
    %add3A_433 = arith.addi %iota3A_0, %add3A_432 : vector<256x64xi32>
    %eq3A_434 = arith.cmpi eq, %iota3A, %add3A_433 : vector<256x64xi32>
    %convert_element_type3A_435 = arith.extui %eq3A_434 : vector<256x64xi1> to vector<256x64xi32>
    %convert_element_type3A_436 = arith.sitofp %convert_element_type3A_435 : vector<256x64xi32> to vector<256x64xf32>
    %get3A_437 = arith.constant 0 : index
    %get3A_438 = arith.constant 0 : index
    %get3A_439 = arith.constant 0 : index
    %get3A_440 = vector.load %arg21[%get3A_437, %get3A_438, %get3A_439] : memref<1x64x256xf32, #tpu.memory_space<vmem>>, vector<1x64x256xf32>
    %get3A_441 = vector.shape_cast %get3A_440 : vector<1x64x256xf32> to vector<64x256xf32>
    %dot_general3A_442 = arith.constant dense<0.000000e+00> : vector<64x64xf32>
    %dot_general3A_443 = tpu.matmul %get3A_441, %convert_element_type3A_436, %dot_general3A_442 {dimension_numbers = #tpu.dot_dimension_numbers<[1], [0], [0], [1], [0, 0, 1, 1], [], []>, transpose_lhs_hint = false} : vector<64x256xf32>, vector<256x64xf32>, vector<64x64xf32> -> vector<64x64xf32>
    %swap3A_444 = arith.constant 18 : index
    %swap3A_445 = arith.constant 0 : index
    %swap3A_446 = arith.constant 0 : index
    %swap3A_447 = vector.load %arg35[%swap3A_444, %swap3A_445, %swap3A_446] : memref<32x64x64xf32, #tpu.memory_space<vmem>>, vector<1x64x64xf32>
    %swap3A_448 = vector.shape_cast %swap3A_447 : vector<1x64x64xf32> to vector<64x64xf32>
    %swap3A_449 = vector.shape_cast %dot_general3A_443 : vector<64x64xf32> to vector<1x64x64xf32>
    tpu.vector_store %arg35[%swap3A_444, %swap3A_445, %swap3A_446], %swap3A_449 {strides = array<i32>} : memref<32x64x64xf32, #tpu.memory_space<vmem>>, vector<1x64x64xf32>,
    %mul3A_450 = arith.constant 32 : i32
    %mul3A_451 = arith.muli %arg0, %mul3A_450 : i32
    %add3A_452 = arith.constant 19 : i32
    %add3A_453 = arith.addi %mul3A_451, %add3A_452 : i32
    %get3A_454 = arith.index_cast %add3A_453 : i32 to index
    %get3A_455 = memref.load %arg2[%get3A_454] : memref<512xi32, #tpu.memory_space<smem>>
    %add3A_456 = vector.broadcast %get3A_455 : i32 to vector<256x64xi32>
    %add3A_457 = arith.addi %iota3A_0, %add3A_456 : vector<256x64xi32>
    %eq3A_458 = arith.cmpi eq, %iota3A, %add3A_457 : vector<256x64xi32>
    %convert_element_type3A_459 = arith.extui %eq3A_458 : vector<256x64xi1> to vector<256x64xi32>
    %convert_element_type3A_460 = arith.sitofp %convert_element_type3A_459 : vector<256x64xi32> to vector<256x64xf32>
    %get3A_461 = arith.constant 0 : index
    %get3A_462 = arith.constant 0 : index
    %get3A_463 = arith.constant 0 : index
    %get3A_464 = vector.load %arg22[%get3A_461, %get3A_462, %get3A_463] : memref<1x64x256xf32, #tpu.memory_space<vmem>>, vector<1x64x256xf32>
    %get3A_465 = vector.shape_cast %get3A_464 : vector<1x64x256xf32> to vector<64x256xf32>
    %dot_general3A_466 = arith.constant dense<0.000000e+00> : vector<64x64xf32>
    %dot_general3A_467 = tpu.matmul %get3A_465, %convert_element_type3A_460, %dot_general3A_466 {dimension_numbers = #tpu.dot_dimension_numbers<[1], [0], [0], [1], [0, 0, 1, 1], [], []>, transpose_lhs_hint = false} : vector<64x256xf32>, vector<256x64xf32>, vector<64x64xf32> -> vector<64x64xf32>
    %swap3A_468 = arith.constant 19 : index
    %swap3A_469 = arith.constant 0 : index
    %swap3A_470 = arith.constant 0 : index
    %swap3A_471 = vector.load %arg35[%swap3A_468, %swap3A_469, %swap3A_470] : memref<32x64x64xf32, #tpu.memory_space<vmem>>, vector<1x64x64xf32>
    %swap3A_472 = vector.shape_cast %swap3A_471 : vector<1x64x64xf32> to vector<64x64xf32>
    %swap3A_473 = vector.shape_cast %dot_general3A_467 : vector<64x64xf32> to vector<1x64x64xf32>
    tpu.vector_store %arg35[%swap3A_468, %swap3A_469, %swap3A_470], %swap3A_473 {strides = array<i32>} : memref<32x64x64xf32, #tpu.memory_space<vmem>>, vector<1x64x64xf32>,
    %mul3A_474 = arith.constant 32 : i32
    %mul3A_475 = arith.muli %arg0, %mul3A_474 : i32
    %add3A_476 = arith.constant 20 : i32
    %add3A_477 = arith.addi %mul3A_475, %add3A_476 : i32
    %get3A_478 = arith.index_cast %add3A_477 : i32 to index
    %get3A_479 = memref.load %arg2[%get3A_478] : memref<512xi32, #tpu.memory_space<smem>>
    %add3A_480 = vector.broadcast %get3A_479 : i32 to vector<256x64xi32>
    %add3A_481 = arith.addi %iota3A_0, %add3A_480 : vector<256x64xi32>
    %eq3A_482 = arith.cmpi eq, %iota3A, %add3A_481 : vector<256x64xi32>
    %convert_element_type3A_483 = arith.extui %eq3A_482 : vector<256x64xi1> to vector<256x64xi32>
    %convert_element_type3A_484 = arith.sitofp %convert_element_type3A_483 : vector<256x64xi32> to vector<256x64xf32>
    %get3A_485 = arith.constant 0 : index
    %get3A_486 = arith.constant 0 : index
    %get3A_487 = arith.constant 0 : index
    %get3A_488 = vector.load %arg23[%get3A_485, %get3A_486, %get3A_487] : memref<1x64x256xf32, #tpu.memory_space<vmem>>, vector<1x64x256xf32>
    %get3A_489 = vector.shape_cast %get3A_488 : vector<1x64x256xf32> to vector<64x256xf32>
    %dot_general3A_490 = arith.constant dense<0.000000e+00> : vector<64x64xf32>
    %dot_general3A_491 = tpu.matmul %get3A_489, %convert_element_type3A_484, %dot_general3A_490 {dimension_numbers = #tpu.dot_dimension_numbers<[1], [0], [0], [1], [0, 0, 1, 1], [], []>, transpose_lhs_hint = false} : vector<64x256xf32>, vector<256x64xf32>, vector<64x64xf32> -> vector<64x64xf32>
    %swap3A_492 = arith.constant 20 : index
    %swap3A_493 = arith.constant 0 : index
    %swap3A_494 = arith.constant 0 : index
    %swap3A_495 = vector.load %arg35[%swap3A_492, %swap3A_493, %swap3A_494] : memref<32x64x64xf32, #tpu.memory_space<vmem>>, vector<1x64x64xf32>
    %swap3A_496 = vector.shape_cast %swap3A_495 : vector<1x64x64xf32> to vector<64x64xf32>
    %swap3A_497 = vector.shape_cast %dot_general3A_491 : vector<64x64xf32> to vector<1x64x64xf32>
    tpu.vector_store %arg35[%swap3A_492, %swap3A_493, %swap3A_494], %swap3A_497 {strides = array<i32>} : memref<32x64x64xf32, #tpu.memory_space<vmem>>, vector<1x64x64xf32>,
    %mul3A_498 = arith.constant 32 : i32
    %mul3A_499 = arith.muli %arg0, %mul3A_498 : i32
    %add3A_500 = arith.constant 21 : i32
    %add3A_501 = arith.addi %mul3A_499, %add3A_500 : i32
    %get3A_502 = arith.index_cast %add3A_501 : i32 to index
    %get3A_503 = memref.load %arg2[%get3A_502] : memref<512xi32, #tpu.memory_space<smem>>
    %add3A_504 = vector.broadcast %get3A_503 : i32 to vector<256x64xi32>
    %add3A_505 = arith.addi %iota3A_0, %add3A_504 : vector<256x64xi32>
    %eq3A_506 = arith.cmpi eq, %iota3A, %add3A_505 : vector<256x64xi32>
    %convert_element_type3A_507 = arith.extui %eq3A_506 : vector<256x64xi1> to vector<256x64xi32>
    %convert_element_type3A_508 = arith.sitofp %convert_element_type3A_507 : vector<256x64xi32> to vector<256x64xf32>
    %get3A_509 = arith.constant 0 : index
    %get3A_510 = arith.constant 0 : index
    %get3A_511 = arith.constant 0 : index
    %get3A_512 = vector.load %arg24[%get3A_509, %get3A_510, %get3A_511] : memref<1x64x256xf32, #tpu.memory_space<vmem>>, vector<1x64x256xf32>
    %get3A_513 = vector.shape_cast %get3A_512 : vector<1x64x256xf32> to vector<64x256xf32>
    %dot_general3A_514 = arith.constant dense<0.000000e+00> : vector<64x64xf32>
    %dot_general3A_515 = tpu.matmul %get3A_513, %convert_element_type3A_508, %dot_general3A_514 {dimension_numbers = #tpu.dot_dimension_numbers<[1], [0], [0], [1], [0, 0, 1, 1], [], []>, transpose_lhs_hint = false} : vector<64x256xf32>, vector<256x64xf32>, vector<64x64xf32> -> vector<64x64xf32>
    %swap3A_516 = arith.constant 21 : index
    %swap3A_517 = arith.constant 0 : index
    %swap3A_518 = arith.constant 0 : index
    %swap3A_519 = vector.load %arg35[%swap3A_516, %swap3A_517, %swap3A_518] : memref<32x64x64xf32, #tpu.memory_space<vmem>>, vector<1x64x64xf32>
    %swap3A_520 = vector.shape_cast %swap3A_519 : vector<1x64x64xf32> to vector<64x64xf32>
    %swap3A_521 = vector.shape_cast %dot_general3A_515 : vector<64x64xf32> to vector<1x64x64xf32>
    tpu.vector_store %arg35[%swap3A_516, %swap3A_517, %swap3A_518], %swap3A_521 {strides = array<i32>} : memref<32x64x64xf32, #tpu.memory_space<vmem>>, vector<1x64x64xf32>,
    %mul3A_522 = arith.constant 32 : i32
    %mul3A_523 = arith.muli %arg0, %mul3A_522 : i32
    %add3A_524 = arith.constant 22 : i32
    %add3A_525 = arith.addi %mul3A_523, %add3A_524 : i32
    %get3A_526 = arith.index_cast %add3A_525 : i32 to index
    %get3A_527 = memref.load %arg2[%get3A_526] : memref<512xi32, #tpu.memory_space<smem>>
    %add3A_528 = vector.broadcast %get3A_527 : i32 to vector<256x64xi32>
    %add3A_529 = arith.addi %iota3A_0, %add3A_528 : vector<256x64xi32>
    %eq3A_530 = arith.cmpi eq, %iota3A, %add3A_529 : vector<256x64xi32>
    %convert_element_type3A_531 = arith.extui %eq3A_530 : vector<256x64xi1> to vector<256x64xi32>
    %convert_element_type3A_532 = arith.sitofp %convert_element_type3A_531 : vector<256x64xi32> to vector<256x64xf32>
    %get3A_533 = arith.constant 0 : index
    %get3A_534 = arith.constant 0 : index
    %get3A_535 = arith.constant 0 : index
    %get3A_536 = vector.load %arg25[%get3A_533, %get3A_534, %get3A_535] : memref<1x64x256xf32, #tpu.memory_space<vmem>>, vector<1x64x256xf32>
    %get3A_537 = vector.shape_cast %get3A_536 : vector<1x64x256xf32> to vector<64x256xf32>
    %dot_general3A_538 = arith.constant dense<0.000000e+00> : vector<64x64xf32>
    %dot_general3A_539 = tpu.matmul %get3A_537, %convert_element_type3A_532, %dot_general3A_538 {dimension_numbers = #tpu.dot_dimension_numbers<[1], [0], [0], [1], [0, 0, 1, 1], [], []>, transpose_lhs_hint = false} : vector<64x256xf32>, vector<256x64xf32>, vector<64x64xf32> -> vector<64x64xf32>
    %swap3A_540 = arith.constant 22 : index
    %swap3A_541 = arith.constant 0 : index
    %swap3A_542 = arith.constant 0 : index
    %swap3A_543 = vector.load %arg35[%swap3A_540, %swap3A_541, %swap3A_542] : memref<32x64x64xf32, #tpu.memory_space<vmem>>, vector<1x64x64xf32>
    %swap3A_544 = vector.shape_cast %swap3A_543 : vector<1x64x64xf32> to vector<64x64xf32>
    %swap3A_545 = vector.shape_cast %dot_general3A_539 : vector<64x64xf32> to vector<1x64x64xf32>
    tpu.vector_store %arg35[%swap3A_540, %swap3A_541, %swap3A_542], %swap3A_545 {strides = array<i32>} : memref<32x64x64xf32, #tpu.memory_space<vmem>>, vector<1x64x64xf32>,
    %mul3A_546 = arith.constant 32 : i32
    %mul3A_547 = arith.muli %arg0, %mul3A_546 : i32
    %add3A_548 = arith.constant 23 : i32
    %add3A_549 = arith.addi %mul3A_547, %add3A_548 : i32
    %get3A_550 = arith.index_cast %add3A_549 : i32 to index
    %get3A_551 = memref.load %arg2[%get3A_550] : memref<512xi32, #tpu.memory_space<smem>>
    %add3A_552 = vector.broadcast %get3A_551 : i32 to vector<256x64xi32>
    %add3A_553 = arith.addi %iota3A_0, %add3A_552 : vector<256x64xi32>
    %eq3A_554 = arith.cmpi eq, %iota3A, %add3A_553 : vector<256x64xi32>
    %convert_element_type3A_555 = arith.extui %eq3A_554 : vector<256x64xi1> to vector<256x64xi32>
    %convert_element_type3A_556 = arith.sitofp %convert_element_type3A_555 : vector<256x64xi32> to vector<256x64xf32>
    %get3A_557 = arith.constant 0 : index
    %get3A_558 = arith.constant 0 : index
    %get3A_559 = arith.constant 0 : index
    %get3A_560 = vector.load %arg26[%get3A_557, %get3A_558, %get3A_559] : memref<1x64x256xf32, #tpu.memory_space<vmem>>, vector<1x64x256xf32>
    %get3A_561 = vector.shape_cast %get3A_560 : vector<1x64x256xf32> to vector<64x256xf32>
    %dot_general3A_562 = arith.constant dense<0.000000e+00> : vector<64x64xf32>
    %dot_general3A_563 = tpu.matmul %get3A_561, %convert_element_type3A_556, %dot_general3A_562 {dimension_numbers = #tpu.dot_dimension_numbers<[1], [0], [0], [1], [0, 0, 1, 1], [], []>, transpose_lhs_hint = false} : vector<64x256xf32>, vector<256x64xf32>, vector<64x64xf32> -> vector<64x64xf32>
    %swap3A_564 = arith.constant 23 : index
    %swap3A_565 = arith.constant 0 : index
    %swap3A_566 = arith.constant 0 : index
    %swap3A_567 = vector.load %arg35[%swap3A_564, %swap3A_565, %swap3A_566] : memref<32x64x64xf32, #tpu.memory_space<vmem>>, vector<1x64x64xf32>
    %swap3A_568 = vector.shape_cast %swap3A_567 : vector<1x64x64xf32> to vector<64x64xf32>
    %swap3A_569 = vector.shape_cast %dot_general3A_563 : vector<64x64xf32> to vector<1x64x64xf32>
    tpu.vector_store %arg35[%swap3A_564, %swap3A_565, %swap3A_566], %swap3A_569 {strides = array<i32>} : memref<32x64x64xf32, #tpu.memory_space<vmem>>, vector<1x64x64xf32>,
    %mul3A_570 = arith.constant 32 : i32
    %mul3A_571 = arith.muli %arg0, %mul3A_570 : i32
    %add3A_572 = arith.constant 24 : i32
    %add3A_573 = arith.addi %mul3A_571, %add3A_572 : i32
    %get3A_574 = arith.index_cast %add3A_573 : i32 to index
    %get3A_575 = memref.load %arg2[%get3A_574] : memref<512xi32, #tpu.memory_space<smem>>
    %add3A_576 = vector.broadcast %get3A_575 : i32 to vector<256x64xi32>
    %add3A_577 = arith.addi %iota3A_0, %add3A_576 : vector<256x64xi32>
    %eq3A_578 = arith.cmpi eq, %iota3A, %add3A_577 : vector<256x64xi32>
    %convert_element_type3A_579 = arith.extui %eq3A_578 : vector<256x64xi1> to vector<256x64xi32>
    %convert_element_type3A_580 = arith.sitofp %convert_element_type3A_579 : vector<256x64xi32> to vector<256x64xf32>
    %get3A_581 = arith.constant 0 : index
    %get3A_582 = arith.constant 0 : index
    %get3A_583 = arith.constant 0 : index
    %get3A_584 = vector.load %arg27[%get3A_581, %get3A_582, %get3A_583] : memref<1x64x256xf32, #tpu.memory_space<vmem>>, vector<1x64x256xf32>
    %get3A_585 = vector.shape_cast %get3A_584 : vector<1x64x256xf32> to vector<64x256xf32>
    %dot_general3A_586 = arith.constant dense<0.000000e+00> : vector<64x64xf32>
    %dot_general3A_587 = tpu.matmul %get3A_585, %convert_element_type3A_580, %dot_general3A_586 {dimension_numbers = #tpu.dot_dimension_numbers<[1], [0], [0], [1], [0, 0, 1, 1], [], []>, transpose_lhs_hint = false} : vector<64x256xf32>, vector<256x64xf32>, vector<64x64xf32> -> vector<64x64xf32>
    %swap3A_588 = arith.constant 24 : index
    %swap3A_589 = arith.constant 0 : index
    %swap3A_590 = arith.constant 0 : index
    %swap3A_591 = vector.load %arg35[%swap3A_588, %swap3A_589, %swap3A_590] : memref<32x64x64xf32, #tpu.memory_space<vmem>>, vector<1x64x64xf32>
    %swap3A_592 = vector.shape_cast %swap3A_591 : vector<1x64x64xf32> to vector<64x64xf32>
    %swap3A_593 = vector.shape_cast %dot_general3A_587 : vector<64x64xf32> to vector<1x64x64xf32>
    tpu.vector_store %arg35[%swap3A_588, %swap3A_589, %swap3A_590], %swap3A_593 {strides = array<i32>} : memref<32x64x64xf32, #tpu.memory_space<vmem>>, vector<1x64x64xf32>,
    %mul3A_594 = arith.constant 32 : i32
    %mul3A_595 = arith.muli %arg0, %mul3A_594 : i32
    %add3A_596 = arith.constant 25 : i32
    %add3A_597 = arith.addi %mul3A_595, %add3A_596 : i32
    %get3A_598 = arith.index_cast %add3A_597 : i32 to index
    %get3A_599 = memref.load %arg2[%get3A_598] : memref<512xi32, #tpu.memory_space<smem>>
    %add3A_600 = vector.broadcast %get3A_599 : i32 to vector<256x64xi32>
    %add3A_601 = arith.addi %iota3A_0, %add3A_600 : vector<256x64xi32>
    %eq3A_602 = arith.cmpi eq, %iota3A, %add3A_601 : vector<256x64xi32>
    %convert_element_type3A_603 = arith.extui %eq3A_602 : vector<256x64xi1> to vector<256x64xi32>
    %convert_element_type3A_604 = arith.sitofp %convert_element_type3A_603 : vector<256x64xi32> to vector<256x64xf32>
    %get3A_605 = arith.constant 0 : index
    %get3A_606 = arith.constant 0 : index
    %get3A_607 = arith.constant 0 : index
    %get3A_608 = vector.load %arg28[%get3A_605, %get3A_606, %get3A_607] : memref<1x64x256xf32, #tpu.memory_space<vmem>>, vector<1x64x256xf32>
    %get3A_609 = vector.shape_cast %get3A_608 : vector<1x64x256xf32> to vector<64x256xf32>
    %dot_general3A_610 = arith.constant dense<0.000000e+00> : vector<64x64xf32>
    %dot_general3A_611 = tpu.matmul %get3A_609, %convert_element_type3A_604, %dot_general3A_610 {dimension_numbers = #tpu.dot_dimension_numbers<[1], [0], [0], [1], [0, 0, 1, 1], [], []>, transpose_lhs_hint = false} : vector<64x256xf32>, vector<256x64xf32>, vector<64x64xf32> -> vector<64x64xf32>
    %swap3A_612 = arith.constant 25 : index
    %swap3A_613 = arith.constant 0 : index
    %swap3A_614 = arith.constant 0 : index
    %swap3A_615 = vector.load %arg35[%swap3A_612, %swap3A_613, %swap3A_614] : memref<32x64x64xf32, #tpu.memory_space<vmem>>, vector<1x64x64xf32>
    %swap3A_616 = vector.shape_cast %swap3A_615 : vector<1x64x64xf32> to vector<64x64xf32>
    %swap3A_617 = vector.shape_cast %dot_general3A_611 : vector<64x64xf32> to vector<1x64x64xf32>
    tpu.vector_store %arg35[%swap3A_612, %swap3A_613, %swap3A_614], %swap3A_617 {strides = array<i32>} : memref<32x64x64xf32, #tpu.memory_space<vmem>>, vector<1x64x64xf32>,
    %mul3A_618 = arith.constant 32 : i32
    %mul3A_619 = arith.muli %arg0, %mul3A_618 : i32
    %add3A_620 = arith.constant 26 : i32
    %add3A_621 = arith.addi %mul3A_619, %add3A_620 : i32
    %get3A_622 = arith.index_cast %add3A_621 : i32 to index
    %get3A_623 = memref.load %arg2[%get3A_622] : memref<512xi32, #tpu.memory_space<smem>>
    %add3A_624 = vector.broadcast %get3A_623 : i32 to vector<256x64xi32>
    %add3A_625 = arith.addi %iota3A_0, %add3A_624 : vector<256x64xi32>
    %eq3A_626 = arith.cmpi eq, %iota3A, %add3A_625 : vector<256x64xi32>
    %convert_element_type3A_627 = arith.extui %eq3A_626 : vector<256x64xi1> to vector<256x64xi32>
    %convert_element_type3A_628 = arith.sitofp %convert_element_type3A_627 : vector<256x64xi32> to vector<256x64xf32>
    %get3A_629 = arith.constant 0 : index
    %get3A_630 = arith.constant 0 : index
    %get3A_631 = arith.constant 0 : index
    %get3A_632 = vector.load %arg29[%get3A_629, %get3A_630, %get3A_631] : memref<1x64x256xf32, #tpu.memory_space<vmem>>, vector<1x64x256xf32>
    %get3A_633 = vector.shape_cast %get3A_632 : vector<1x64x256xf32> to vector<64x256xf32>
    %dot_general3A_634 = arith.constant dense<0.000000e+00> : vector<64x64xf32>
    %dot_general3A_635 = tpu.matmul %get3A_633, %convert_element_type3A_628, %dot_general3A_634 {dimension_numbers = #tpu.dot_dimension_numbers<[1], [0], [0], [1], [0, 0, 1, 1], [], []>, transpose_lhs_hint = false} : vector<64x256xf32>, vector<256x64xf32>, vector<64x64xf32> -> vector<64x64xf32>
    %swap3A_636 = arith.constant 26 : index
    %swap3A_637 = arith.constant 0 : index
    %swap3A_638 = arith.constant 0 : index
    %swap3A_639 = vector.load %arg35[%swap3A_636, %swap3A_637, %swap3A_638] : memref<32x64x64xf32, #tpu.memory_space<vmem>>, vector<1x64x64xf32>
    %swap3A_640 = vector.shape_cast %swap3A_639 : vector<1x64x64xf32> to vector<64x64xf32>
    %swap3A_641 = vector.shape_cast %dot_general3A_635 : vector<64x64xf32> to vector<1x64x64xf32>
    tpu.vector_store %arg35[%swap3A_636, %swap3A_637, %swap3A_638], %swap3A_641 {strides = array<i32>} : memref<32x64x64xf32, #tpu.memory_space<vmem>>, vector<1x64x64xf32>,
    %mul3A_642 = arith.constant 32 : i32
    %mul3A_643 = arith.muli %arg0, %mul3A_642 : i32
    %add3A_644 = arith.constant 27 : i32
    %add3A_645 = arith.addi %mul3A_643, %add3A_644 : i32
    %get3A_646 = arith.index_cast %add3A_645 : i32 to index
    %get3A_647 = memref.load %arg2[%get3A_646] : memref<512xi32, #tpu.memory_space<smem>>
    %add3A_648 = vector.broadcast %get3A_647 : i32 to vector<256x64xi32>
    %add3A_649 = arith.addi %iota3A_0, %add3A_648 : vector<256x64xi32>
    %eq3A_650 = arith.cmpi eq, %iota3A, %add3A_649 : vector<256x64xi32>
    %convert_element_type3A_651 = arith.extui %eq3A_650 : vector<256x64xi1> to vector<256x64xi32>
    %convert_element_type3A_652 = arith.sitofp %convert_element_type3A_651 : vector<256x64xi32> to vector<256x64xf32>
    %get3A_653 = arith.constant 0 : index
    %get3A_654 = arith.constant 0 : index
    %get3A_655 = arith.constant 0 : index
    %get3A_656 = vector.load %arg30[%get3A_653, %get3A_654, %get3A_655] : memref<1x64x256xf32, #tpu.memory_space<vmem>>, vector<1x64x256xf32>
    %get3A_657 = vector.shape_cast %get3A_656 : vector<1x64x256xf32> to vector<64x256xf32>
    %dot_general3A_658 = arith.constant dense<0.000000e+00> : vector<64x64xf32>
    %dot_general3A_659 = tpu.matmul %get3A_657, %convert_element_type3A_652, %dot_general3A_658 {dimension_numbers = #tpu.dot_dimension_numbers<[1], [0], [0], [1], [0, 0, 1, 1], [], []>, transpose_lhs_hint = false} : vector<64x256xf32>, vector<256x64xf32>, vector<64x64xf32> -> vector<64x64xf32>
    %swap3A_660 = arith.constant 27 : index
    %swap3A_661 = arith.constant 0 : index
    %swap3A_662 = arith.constant 0 : index
    %swap3A_663 = vector.load %arg35[%swap3A_660, %swap3A_661, %swap3A_662] : memref<32x64x64xf32, #tpu.memory_space<vmem>>, vector<1x64x64xf32>
    %swap3A_664 = vector.shape_cast %swap3A_663 : vector<1x64x64xf32> to vector<64x64xf32>
    %swap3A_665 = vector.shape_cast %dot_general3A_659 : vector<64x64xf32> to vector<1x64x64xf32>
    tpu.vector_store %arg35[%swap3A_660, %swap3A_661, %swap3A_662], %swap3A_665 {strides = array<i32>} : memref<32x64x64xf32, #tpu.memory_space<vmem>>, vector<1x64x64xf32>,
    %mul3A_666 = arith.constant 32 : i32
    %mul3A_667 = arith.muli %arg0, %mul3A_666 : i32
    %add3A_668 = arith.constant 28 : i32
    %add3A_669 = arith.addi %mul3A_667, %add3A_668 : i32
    %get3A_670 = arith.index_cast %add3A_669 : i32 to index
    %get3A_671 = memref.load %arg2[%get3A_670] : memref<512xi32, #tpu.memory_space<smem>>
    %add3A_672 = vector.broadcast %get3A_671 : i32 to vector<256x64xi32>
    %add3A_673 = arith.addi %iota3A_0, %add3A_672 : vector<256x64xi32>
    %eq3A_674 = arith.cmpi eq, %iota3A, %add3A_673 : vector<256x64xi32>
    %convert_element_type3A_675 = arith.extui %eq3A_674 : vector<256x64xi1> to vector<256x64xi32>
    %convert_element_type3A_676 = arith.sitofp %convert_element_type3A_675 : vector<256x64xi32> to vector<256x64xf32>
    %get3A_677 = arith.constant 0 : index
    %get3A_678 = arith.constant 0 : index
    %get3A_679 = arith.constant 0 : index
    %get3A_680 = vector.load %arg31[%get3A_677, %get3A_678, %get3A_679] : memref<1x64x256xf32, #tpu.memory_space<vmem>>, vector<1x64x256xf32>
    %get3A_681 = vector.shape_cast %get3A_680 : vector<1x64x256xf32> to vector<64x256xf32>
    %dot_general3A_682 = arith.constant dense<0.000000e+00> : vector<64x64xf32>
    %dot_general3A_683 = tpu.matmul %get3A_681, %convert_element_type3A_676, %dot_general3A_682 {dimension_numbers = #tpu.dot_dimension_numbers<[1], [0], [0], [1], [0, 0, 1, 1], [], []>, transpose_lhs_hint = false} : vector<64x256xf32>, vector<256x64xf32>, vector<64x64xf32> -> vector<64x64xf32>
    %swap3A_684 = arith.constant 28 : index
    %swap3A_685 = arith.constant 0 : index
    %swap3A_686 = arith.constant 0 : index
    %swap3A_687 = vector.load %arg35[%swap3A_684, %swap3A_685, %swap3A_686] : memref<32x64x64xf32, #tpu.memory_space<vmem>>, vector<1x64x64xf32>
    %swap3A_688 = vector.shape_cast %swap3A_687 : vector<1x64x64xf32> to vector<64x64xf32>
    %swap3A_689 = vector.shape_cast %dot_general3A_683 : vector<64x64xf32> to vector<1x64x64xf32>
    tpu.vector_store %arg35[%swap3A_684, %swap3A_685, %swap3A_686], %swap3A_689 {strides = array<i32>} : memref<32x64x64xf32, #tpu.memory_space<vmem>>, vector<1x64x64xf32>,
    %mul3A_690 = arith.constant 32 : i32
    %mul3A_691 = arith.muli %arg0, %mul3A_690 : i32
    %add3A_692 = arith.constant 29 : i32
    %add3A_693 = arith.addi %mul3A_691, %add3A_692 : i32
    %get3A_694 = arith.index_cast %add3A_693 : i32 to index
    %get3A_695 = memref.load %arg2[%get3A_694] : memref<512xi32, #tpu.memory_space<smem>>
    %add3A_696 = vector.broadcast %get3A_695 : i32 to vector<256x64xi32>
    %add3A_697 = arith.addi %iota3A_0, %add3A_696 : vector<256x64xi32>
    %eq3A_698 = arith.cmpi eq, %iota3A, %add3A_697 : vector<256x64xi32>
    %convert_element_type3A_699 = arith.extui %eq3A_698 : vector<256x64xi1> to vector<256x64xi32>
    %convert_element_type3A_700 = arith.sitofp %convert_element_type3A_699 : vector<256x64xi32> to vector<256x64xf32>
    %get3A_701 = arith.constant 0 : index
    %get3A_702 = arith.constant 0 : index
    %get3A_703 = arith.constant 0 : index
    %get3A_704 = vector.load %arg32[%get3A_701, %get3A_702, %get3A_703] : memref<1x64x256xf32, #tpu.memory_space<vmem>>, vector<1x64x256xf32>
    %get3A_705 = vector.shape_cast %get3A_704 : vector<1x64x256xf32> to vector<64x256xf32>
    %dot_general3A_706 = arith.constant dense<0.000000e+00> : vector<64x64xf32>
    %dot_general3A_707 = tpu.matmul %get3A_705, %convert_element_type3A_700, %dot_general3A_706 {dimension_numbers = #tpu.dot_dimension_numbers<[1], [0], [0], [1], [0, 0, 1, 1], [], []>, transpose_lhs_hint = false} : vector<64x256xf32>, vector<256x64xf32>, vector<64x64xf32> -> vector<64x64xf32>
    %swap3A_708 = arith.constant 29 : index
    %swap3A_709 = arith.constant 0 : index
    %swap3A_710 = arith.constant 0 : index
    %swap3A_711 = vector.load %arg35[%swap3A_708, %swap3A_709, %swap3A_710] : memref<32x64x64xf32, #tpu.memory_space<vmem>>, vector<1x64x64xf32>
    %swap3A_712 = vector.shape_cast %swap3A_711 : vector<1x64x64xf32> to vector<64x64xf32>
    %swap3A_713 = vector.shape_cast %dot_general3A_707 : vector<64x64xf32> to vector<1x64x64xf32>
    tpu.vector_store %arg35[%swap3A_708, %swap3A_709, %swap3A_710], %swap3A_713 {strides = array<i32>} : memref<32x64x64xf32, #tpu.memory_space<vmem>>, vector<1x64x64xf32>,
    %mul3A_714 = arith.constant 32 : i32
    %mul3A_715 = arith.muli %arg0, %mul3A_714 : i32
    %add3A_716 = arith.constant 30 : i32
    %add3A_717 = arith.addi %mul3A_715, %add3A_716 : i32
    %get3A_718 = arith.index_cast %add3A_717 : i32 to index
    %get3A_719 = memref.load %arg2[%get3A_718] : memref<512xi32, #tpu.memory_space<smem>>
    %add3A_720 = vector.broadcast %get3A_719 : i32 to vector<256x64xi32>
    %add3A_721 = arith.addi %iota3A_0, %add3A_720 : vector<256x64xi32>
    %eq3A_722 = arith.cmpi eq, %iota3A, %add3A_721 : vector<256x64xi32>
    %convert_element_type3A_723 = arith.extui %eq3A_722 : vector<256x64xi1> to vector<256x64xi32>
    %convert_element_type3A_724 = arith.sitofp %convert_element_type3A_723 : vector<256x64xi32> to vector<256x64xf32>
    %get3A_725 = arith.constant 0 : index
    %get3A_726 = arith.constant 0 : index
    %get3A_727 = arith.constant 0 : index
    %get3A_728 = vector.load %arg33[%get3A_725, %get3A_726, %get3A_727] : memref<1x64x256xf32, #tpu.memory_space<vmem>>, vector<1x64x256xf32>
    %get3A_729 = vector.shape_cast %get3A_728 : vector<1x64x256xf32> to vector<64x256xf32>
    %dot_general3A_730 = arith.constant dense<0.000000e+00> : vector<64x64xf32>
    %dot_general3A_731 = tpu.matmul %get3A_729, %convert_element_type3A_724, %dot_general3A_730 {dimension_numbers = #tpu.dot_dimension_numbers<[1], [0], [0], [1], [0, 0, 1, 1], [], []>, transpose_lhs_hint = false} : vector<64x256xf32>, vector<256x64xf32>, vector<64x64xf32> -> vector<64x64xf32>
    %swap3A_732 = arith.constant 30 : index
    %swap3A_733 = arith.constant 0 : index
    %swap3A_734 = arith.constant 0 : index
    %swap3A_735 = vector.load %arg35[%swap3A_732, %swap3A_733, %swap3A_734] : memref<32x64x64xf32, #tpu.memory_space<vmem>>, vector<1x64x64xf32>
    %swap3A_736 = vector.shape_cast %swap3A_735 : vector<1x64x64xf32> to vector<64x64xf32>
    %swap3A_737 = vector.shape_cast %dot_general3A_731 : vector<64x64xf32> to vector<1x64x64xf32>
    tpu.vector_store %arg35[%swap3A_732, %swap3A_733, %swap3A_734], %swap3A_737 {strides = array<i32>} : memref<32x64x64xf32, #tpu.memory_space<vmem>>, vector<1x64x64xf32>,
    %mul3A_738 = arith.constant 32 : i32
    %mul3A_739 = arith.muli %arg0, %mul3A_738 : i32
    %add3A_740 = arith.constant 31 : i32
    %add3A_741 = arith.addi %mul3A_739, %add3A_740 : i32
    %get3A_742 = arith.index_cast %add3A_741 : i32 to index
    %get3A_743 = memref.load %arg2[%get3A_742] : memref<512xi32, #tpu.memory_space<smem>>
    %add3A_744 = vector.broadcast %get3A_743 : i32 to vector<256x64xi32>
    %add3A_745 = arith.addi %iota3A_0, %add3A_744 : vector<256x64xi32>
    %eq3A_746 = arith.cmpi eq, %iota3A, %add3A_745 : vector<256x64xi32>
    %convert_element_type3A_747 = arith.extui %eq3A_746 : vector<256x64xi1> to vector<256x64xi32>
    %convert_element_type3A_748 = arith.sitofp %convert_element_type3A_747 : vector<256x64xi32> to vector<256x64xf32>
    %get3A_749 = arith.constant 0 : index
    %get3A_750 = arith.constant 0 : index
    %get3A_751 = arith.constant 0 : index
    %get3A_752 = vector.load %arg34[%get3A_749, %get3A_750, %get3A_751] : memref<1x64x256xf32, #tpu.memory_space<vmem>>, vector<1x64x256xf32>
    %get3A_753 = vector.shape_cast %get3A_752 : vector<1x64x256xf32> to vector<64x256xf32>
    %dot_general3A_754 = arith.constant dense<0.000000e+00> : vector<64x64xf32>
    %dot_general3A_755 = tpu.matmul %get3A_753, %convert_element_type3A_748, %dot_general3A_754 {dimension_numbers = #tpu.dot_dimension_numbers<[1], [0], [0], [1], [0, 0, 1, 1], [], []>, transpose_lhs_hint = false} : vector<64x256xf32>, vector<256x64xf32>, vector<64x64xf32> -> vector<64x64xf32>
    %swap3A_756 = arith.constant 31 : index
    %swap3A_757 = arith.constant 0 : index
    %swap3A_758 = arith.constant 0 : index
    %swap3A_759 = vector.load %arg35[%swap3A_756, %swap3A_757, %swap3A_758] : memref<32x64x64xf32, #tpu.memory_space<vmem>>, vector<1x64x64xf32>
    %swap3A_760 = vector.shape_cast %swap3A_759 : vector<1x64x64xf32> to vector<64x64xf32>
    %swap3A_761 = vector.shape_cast %dot_general3A_755 : vector<64x64xf32> to vector<1x64x64xf32>
    tpu.vector_store %arg35[%swap3A_756, %swap3A_757, %swap3A_758], %swap3A_761 {strides = array<i32>} : memref<32x64x64xf32, #tpu.memory_space<vmem>>, vector<1x64x64xf32>,
    return
  }
  func.func @transform_0(%arg0: i32, %arg1: memref<512xi32, #tpu.memory_space<smem>>, %arg2: memref<512xi32, #tpu.memory_space<smem>>) -> (i32, i32, i32) {
    %mul3A = arith.constant 32 : i32
    %mul3A_0 = arith.muli %arg0, %mul3A : i32
    %add3A = arith.constant 0 : i32
    %add3A_1 = arith.addi %mul3A_0, %add3A : i32
    %get3A = arith.index_cast %add3A_1 : i32 to index
    %get3A_2 = memref.load %arg1[%get3A] : memref<512xi32, #tpu.memory_space<smem>>
    %c0_i32 = arith.constant 0 : i32
    %c0_i32_3 = arith.constant 0 : i32
    %c0_i32_4 = arith.constant 0 : i32
    return %get3A_2, %c0_i32, %c0_i32_3 : i32, i32, i32
  }
  func.func @transform_1(%arg0: i32, %arg1: memref<512xi32, #tpu.memory_space<smem>>, %arg2: memref<512xi32, #tpu.memory_space<smem>>) -> (i32, i32, i32) {
    %mul3A = arith.constant 32 : i32
    %mul3A_0 = arith.muli %arg0, %mul3A : i32
    %add3A = arith.constant 1 : i32
    %add3A_1 = arith.addi %mul3A_0, %add3A : i32
    %get3A = arith.index_cast %add3A_1 : i32 to index
    %get3A_2 = memref.load %arg1[%get3A] : memref<512xi32, #tpu.memory_space<smem>>
    %c0_i32 = arith.constant 0 : i32
    %c0_i32_3 = arith.constant 0 : i32
    %c0_i32_4 = arith.constant 0 : i32
    return %get3A_2, %c0_i32, %c0_i32_3 : i32, i32, i32
  }
  func.func @transform_2(%arg0: i32, %arg1: memref<512xi32, #tpu.memory_space<smem>>, %arg2: memref<512xi32, #tpu.memory_space<smem>>) -> (i32, i32, i32) {
    %mul3A = arith.constant 32 : i32
    %mul3A_0 = arith.muli %arg0, %mul3A : i32
    %add3A = arith.constant 2 : i32
    %add3A_1 = arith.addi %mul3A_0, %add3A : i32
    %get3A = arith.index_cast %add3A_1 : i32 to index
    %get3A_2 = memref.load %arg1[%get3A] : memref<512xi32, #tpu.memory_space<smem>>
    %c0_i32 = arith.constant 0 : i32
    %c0_i32_3 = arith.constant 0 : i32
    %c0_i32_4 = arith.constant 0 : i32
    return %get3A_2, %c0_i32, %c0_i32_3 : i32, i32, i32
  }
  func.func @transform_3(%arg0: i32, %arg1: memref<512xi32, #tpu.memory_space<smem>>, %arg2: memref<512xi32, #tpu.memory_space<smem>>) -> (i32, i32, i32) {
    %mul3A = arith.constant 32 : i32
    %mul3A_0 = arith.muli %arg0, %mul3A : i32
    %add3A = arith.constant 3 : i32
    %add3A_1 = arith.addi %mul3A_0, %add3A : i32
    %get3A = arith.index_cast %add3A_1 : i32 to index
    %get3A_2 = memref.load %arg1[%get3A] : memref<512xi32, #tpu.memory_space<smem>>
    %c0_i32 = arith.constant 0 : i32
    %c0_i32_3 = arith.constant 0 : i32
    %c0_i32_4 = arith.constant 0 : i32
    return %get3A_2, %c0_i32, %c0_i32_3 : i32, i32, i32
  }
  func.func @transform_4(%arg0: i32, %arg1: memref<512xi32, #tpu.memory_space<smem>>, %arg2: memref<512xi32, #tpu.memory_space<smem>>) -> (i32, i32, i32) {
    %mul3A = arith.constant 32 : i32
    %mul3A_0 = arith.muli %arg0, %mul3A : i32
    %add3A = arith.constant 4 : i32
    %add3A_1 = arith.addi %mul3A_0, %add3A : i32
    %get3A = arith.index_cast %add3A_1 : i32 to index
    %get3A_2 = memref.load %arg1[%get3A] : memref<512xi32, #tpu.memory_space<smem>>
    %c0_i32 = arith.constant 0 : i32
    %c0_i32_3 = arith.constant 0 : i32
    %c0_i32_4 = arith.constant 0 : i32
    return %get3A_2, %c0_i32, %c0_i32_3 : i32, i32, i32
  }
  func.func @transform_5(%arg0: i32, %arg1: memref<512xi32, #tpu.memory_space<smem>>, %arg2: memref<512xi32, #tpu.memory_space<smem>>) -> (i32, i32, i32) {
    %mul3A = arith.constant 32 : i32
    %mul3A_0 = arith.muli %arg0, %mul3A : i32
    %add3A = arith.constant 5 : i32
    %add3A_1 = arith.addi %mul3A_0, %add3A : i32
    %get3A = arith.index_cast %add3A_1 : i32 to index
    %get3A_2 = memref.load %arg1[%get3A] : memref<512xi32, #tpu.memory_space<smem>>
    %c0_i32 = arith.constant 0 : i32
    %c0_i32_3 = arith.constant 0 : i32
    %c0_i32_4 = arith.constant 0 : i32
    return %get3A_2, %c0_i32, %c0_i32_3 : i32, i32, i32
  }
  func.func @transform_6(%arg0: i32, %arg1: memref<512xi32, #tpu.memory_space<smem>>, %arg2: memref<512xi32, #tpu.memory_space<smem>>) -> (i32, i32, i32) {
    %mul3A = arith.constant 32 : i32
    %mul3A_0 = arith.muli %arg0, %mul3A : i32
    %add3A = arith.constant 6 : i32
    %add3A_1 = arith.addi %mul3A_0, %add3A : i32
    %get3A = arith.index_cast %add3A_1 : i32 to index
    %get3A_2 = memref.load %arg1[%get3A] : memref<512xi32, #tpu.memory_space<smem>>
    %c0_i32 = arith.constant 0 : i32
    %c0_i32_3 = arith.constant 0 : i32
    %c0_i32_4 = arith.constant 0 : i32
    return %get3A_2, %c0_i32, %c0_i32_3 : i32, i32, i32
  }
  func.func @transform_7(%arg0: i32, %arg1: memref<512xi32, #tpu.memory_space<smem>>, %arg2: memref<512xi32, #tpu.memory_space<smem>>) -> (i32, i32, i32) {
    %mul3A = arith.constant 32 : i32
    %mul3A_0 = arith.muli %arg0, %mul3A : i32
    %add3A = arith.constant 7 : i32
    %add3A_1 = arith.addi %mul3A_0, %add3A : i32
    %get3A = arith.index_cast %add3A_1 : i32 to index
    %get3A_2 = memref.load %arg1[%get3A] : memref<512xi32, #tpu.memory_space<smem>>
    %c0_i32 = arith.constant 0 : i32
    %c0_i32_3 = arith.constant 0 : i32
    %c0_i32_4 = arith.constant 0 : i32
    return %get3A_2, %c0_i32, %c0_i32_3 : i32, i32, i32
  }
  func.func @transform_8(%arg0: i32, %arg1: memref<512xi32, #tpu.memory_space<smem>>, %arg2: memref<512xi32, #tpu.memory_space<smem>>) -> (i32, i32, i32) {
    %mul3A = arith.constant 32 : i32
    %mul3A_0 = arith.muli %arg0, %mul3A : i32
    %add3A = arith.constant 8 : i32
    %add3A_1 = arith.addi %mul3A_0, %add3A : i32
    %get3A = arith.index_cast %add3A_1 : i32 to index
    %get3A_2 = memref.load %arg1[%get3A] : memref<512xi32, #tpu.memory_space<smem>>
    %c0_i32 = arith.constant 0 : i32
    %c0_i32_3 = arith.constant 0 : i32
    %c0_i32_4 = arith.constant 0 : i32
    return %get3A_2, %c0_i32, %c0_i32_3 : i32, i32, i32
  }
  func.func @transform_9(%arg0: i32, %arg1: memref<512xi32, #tpu.memory_space<smem>>, %arg2: memref<512xi32, #tpu.memory_space<smem>>) -> (i32, i32, i32) {
    %mul3A = arith.constant 32 : i32
    %mul3A_0 = arith.muli %arg0, %mul3A : i32
    %add3A = arith.constant 9 : i32
    %add3A_1 = arith.addi %mul3A_0, %add3A : i32
    %get3A = arith.index_cast %add3A_1 : i32 to index
    %get3A_2 = memref.load %arg1[%get3A] : memref<512xi32, #tpu.memory_space<smem>>
    %c0_i32 = arith.constant 0 : i32
    %c0_i32_3 = arith.constant 0 : i32
    %c0_i32_4 = arith.constant 0 : i32
    return %get3A_2, %c0_i32, %c0_i32_3 : i32, i32, i32
  }
  func.func @transform_10(%arg0: i32, %arg1: memref<512xi32, #tpu.memory_space<smem>>, %arg2: memref<512xi32, #tpu.memory_space<smem>>) -> (i32, i32, i32) {
    %mul3A = arith.constant 32 : i32
    %mul3A_0 = arith.muli %arg0, %mul3A : i32
    %add3A = arith.constant 10 : i32
    %add3A_1 = arith.addi %mul3A_0, %add3A : i32
    %get3A = arith.index_cast %add3A_1 : i32 to index
    %get3A_2 = memref.load %arg1[%get3A] : memref<512xi32, #tpu.memory_space<smem>>
    %c0_i32 = arith.constant 0 : i32
    %c0_i32_3 = arith.constant 0 : i32
    %c0_i32_4 = arith.constant 0 : i32
    return %get3A_2, %c0_i32, %c0_i32_3 : i32, i32, i32
  }
  func.func @transform_11(%arg0: i32, %arg1: memref<512xi32, #tpu.memory_space<smem>>, %arg2: memref<512xi32, #tpu.memory_space<smem>>) -> (i32, i32, i32) {
    %mul3A = arith.constant 32 : i32
    %mul3A_0 = arith.muli %arg0, %mul3A : i32
    %add3A = arith.constant 11 : i32
    %add3A_1 = arith.addi %mul3A_0, %add3A : i32
    %get3A = arith.index_cast %add3A_1 : i32 to index
    %get3A_2 = memref.load %arg1[%get3A] : memref<512xi32, #tpu.memory_space<smem>>
    %c0_i32 = arith.constant 0 : i32
    %c0_i32_3 = arith.constant 0 : i32
    %c0_i32_4 = arith.constant 0 : i32
    return %get3A_2, %c0_i32, %c0_i32_3 : i32, i32, i32
  }
  func.func @transform_12(%arg0: i32, %arg1: memref<512xi32, #tpu.memory_space<smem>>, %arg2: memref<512xi32, #tpu.memory_space<smem>>) -> (i32, i32, i32) {
    %mul3A = arith.constant 32 : i32
    %mul3A_0 = arith.muli %arg0, %mul3A : i32
    %add3A = arith.constant 12 : i32
    %add3A_1 = arith.addi %mul3A_0, %add3A : i32
    %get3A = arith.index_cast %add3A_1 : i32 to index
    %get3A_2 = memref.load %arg1[%get3A] : memref<512xi32, #tpu.memory_space<smem>>
    %c0_i32 = arith.constant 0 : i32
    %c0_i32_3 = arith.constant 0 : i32
    %c0_i32_4 = arith.constant 0 : i32
    return %get3A_2, %c0_i32, %c0_i32_3 : i32, i32, i32
  }
  func.func @transform_13(%arg0: i32, %arg1: memref<512xi32, #tpu.memory_space<smem>>, %arg2: memref<512xi32, #tpu.memory_space<smem>>) -> (i32, i32, i32) {
    %mul3A = arith.constant 32 : i32
    %mul3A_0 = arith.muli %arg0, %mul3A : i32
    %add3A = arith.constant 13 : i32
    %add3A_1 = arith.addi %mul3A_0, %add3A : i32
    %get3A = arith.index_cast %add3A_1 : i32 to index
    %get3A_2 = memref.load %arg1[%get3A] : memref<512xi32, #tpu.memory_space<smem>>
    %c0_i32 = arith.constant 0 : i32
    %c0_i32_3 = arith.constant 0 : i32
    %c0_i32_4 = arith.constant 0 : i32
    return %get3A_2, %c0_i32, %c0_i32_3 : i32, i32, i32
  }
  func.func @transform_14(%arg0: i32, %arg1: memref<512xi32, #tpu.memory_space<smem>>, %arg2: memref<512xi32, #tpu.memory_space<smem>>) -> (i32, i32, i32) {
    %mul3A = arith.constant 32 : i32
    %mul3A_0 = arith.muli %arg0, %mul3A : i32
    %add3A = arith.constant 14 : i32
    %add3A_1 = arith.addi %mul3A_0, %add3A : i32
    %get3A = arith.index_cast %add3A_1 : i32 to index
    %get3A_2 = memref.load %arg1[%get3A] : memref<512xi32, #tpu.memory_space<smem>>
    %c0_i32 = arith.constant 0 : i32
    %c0_i32_3 = arith.constant 0 : i32
    %c0_i32_4 = arith.constant 0 : i32
    return %get3A_2, %c0_i32, %c0_i32_3 : i32, i32, i32
  }
  func.func @transform_15(%arg0: i32, %arg1: memref<512xi32, #tpu.memory_space<smem>>, %arg2: memref<512xi32, #tpu.memory_space<smem>>) -> (i32, i32, i32) {
    %mul3A = arith.constant 32 : i32
    %mul3A_0 = arith.muli %arg0, %mul3A : i32
    %add3A = arith.constant 15 : i32
    %add3A_1 = arith.addi %mul3A_0, %add3A : i32
    %get3A = arith.index_cast %add3A_1 : i32 to index
    %get3A_2 = memref.load %arg1[%get3A] : memref<512xi32, #tpu.memory_space<smem>>
    %c0_i32 = arith.constant 0 : i32
    %c0_i32_3 = arith.constant 0 : i32
    %c0_i32_4 = arith.constant 0 : i32
    return %get3A_2, %c0_i32, %c0_i32_3 : i32, i32, i32
  }
  func.func @transform_16(%arg0: i32, %arg1: memref<512xi32, #tpu.memory_space<smem>>, %arg2: memref<512xi32, #tpu.memory_space<smem>>) -> (i32, i32, i32) {
    %mul3A = arith.constant 32 : i32
    %mul3A_0 = arith.muli %arg0, %mul3A : i32
    %add3A = arith.constant 16 : i32
    %add3A_1 = arith.addi %mul3A_0, %add3A : i32
    %get3A = arith.index_cast %add3A_1 : i32 to index
    %get3A_2 = memref.load %arg1[%get3A] : memref<512xi32, #tpu.memory_space<smem>>
    %c0_i32 = arith.constant 0 : i32
    %c0_i32_3 = arith.constant 0 : i32
    %c0_i32_4 = arith.constant 0 : i32
    return %get3A_2, %c0_i32, %c0_i32_3 : i32, i32, i32
  }
  func.func @transform_17(%arg0: i32, %arg1: memref<512xi32, #tpu.memory_space<smem>>, %arg2: memref<512xi32, #tpu.memory_space<smem>>) -> (i32, i32, i32) {
    %mul3A = arith.constant 32 : i32
    %mul3A_0 = arith.muli %arg0, %mul3A : i32
    %add3A = arith.constant 17 : i32
    %add3A_1 = arith.addi %mul3A_0, %add3A : i32
    %get3A = arith.index_cast %add3A_1 : i32 to index
    %get3A_2 = memref.load %arg1[%get3A] : memref<512xi32, #tpu.memory_space<smem>>
    %c0_i32 = arith.constant 0 : i32
    %c0_i32_3 = arith.constant 0 : i32
    %c0_i32_4 = arith.constant 0 : i32
    return %get3A_2, %c0_i32, %c0_i32_3 : i32, i32, i32
  }
  func.func @transform_18(%arg0: i32, %arg1: memref<512xi32, #tpu.memory_space<smem>>, %arg2: memref<512xi32, #tpu.memory_space<smem>>) -> (i32, i32, i32) {
    %mul3A = arith.constant 32 : i32
    %mul3A_0 = arith.muli %arg0, %mul3A : i32
    %add3A = arith.constant 18 : i32
    %add3A_1 = arith.addi %mul3A_0, %add3A : i32
    %get3A = arith.index_cast %add3A_1 : i32 to index
    %get3A_2 = memref.load %arg1[%get3A] : memref<512xi32, #tpu.memory_space<smem>>
    %c0_i32 = arith.constant 0 : i32
    %c0_i32_3 = arith.constant 0 : i32
    %c0_i32_4 = arith.constant 0 : i32
    return %get3A_2, %c0_i32, %c0_i32_3 : i32, i32, i32
  }
  func.func @transform_19(%arg0: i32, %arg1: memref<512xi32, #tpu.memory_space<smem>>, %arg2: memref<512xi32, #tpu.memory_space<smem>>) -> (i32, i32, i32) {
    %mul3A = arith.constant 32 : i32
    %mul3A_0 = arith.muli %arg0, %mul3A : i32
    %add3A = arith.constant 19 : i32
    %add3A_1 = arith.addi %mul3A_0, %add3A : i32
    %get3A = arith.index_cast %add3A_1 : i32 to index
    %get3A_2 = memref.load %arg1[%get3A] : memref<512xi32, #tpu.memory_space<smem>>
    %c0_i32 = arith.constant 0 : i32
    %c0_i32_3 = arith.constant 0 : i32
    %c0_i32_4 = arith.constant 0 : i32
    return %get3A_2, %c0_i32, %c0_i32_3 : i32, i32, i32
  }
  func.func @transform_20(%arg0: i32, %arg1: memref<512xi32, #tpu.memory_space<smem>>, %arg2: memref<512xi32, #tpu.memory_space<smem>>) -> (i32, i32, i32) {
    %mul3A = arith.constant 32 : i32
    %mul3A_0 = arith.muli %arg0, %mul3A : i32
    %add3A = arith.constant 20 : i32
    %add3A_1 = arith.addi %mul3A_0, %add3A : i32
    %get3A = arith.index_cast %add3A_1 : i32 to index
    %get3A_2 = memref.load %arg1[%get3A] : memref<512xi32, #tpu.memory_space<smem>>
    %c0_i32 = arith.constant 0 : i32
    %c0_i32_3 = arith.constant 0 : i32
    %c0_i32_4 = arith.constant 0 : i32
    return %get3A_2, %c0_i32, %c0_i32_3 : i32, i32, i32
  }
  func.func @transform_21(%arg0: i32, %arg1: memref<512xi32, #tpu.memory_space<smem>>, %arg2: memref<512xi32, #tpu.memory_space<smem>>) -> (i32, i32, i32) {
    %mul3A = arith.constant 32 : i32
    %mul3A_0 = arith.muli %arg0, %mul3A : i32
    %add3A = arith.constant 21 : i32
    %add3A_1 = arith.addi %mul3A_0, %add3A : i32
    %get3A = arith.index_cast %add3A_1 : i32 to index
    %get3A_2 = memref.load %arg1[%get3A] : memref<512xi32, #tpu.memory_space<smem>>
    %c0_i32 = arith.constant 0 : i32
    %c0_i32_3 = arith.constant 0 : i32
    %c0_i32_4 = arith.constant 0 : i32
    return %get3A_2, %c0_i32, %c0_i32_3 : i32, i32, i32
  }
  func.func @transform_22(%arg0: i32, %arg1: memref<512xi32, #tpu.memory_space<smem>>, %arg2: memref<512xi32, #tpu.memory_space<smem>>) -> (i32, i32, i32) {
    %mul3A = arith.constant 32 : i32
    %mul3A_0 = arith.muli %arg0, %mul3A : i32
    %add3A = arith.constant 22 : i32
    %add3A_1 = arith.addi %mul3A_0, %add3A : i32
    %get3A = arith.index_cast %add3A_1 : i32 to index
    %get3A_2 = memref.load %arg1[%get3A] : memref<512xi32, #tpu.memory_space<smem>>
    %c0_i32 = arith.constant 0 : i32
    %c0_i32_3 = arith.constant 0 : i32
    %c0_i32_4 = arith.constant 0 : i32
    return %get3A_2, %c0_i32, %c0_i32_3 : i32, i32, i32
  }
  func.func @transform_23(%arg0: i32, %arg1: memref<512xi32, #tpu.memory_space<smem>>, %arg2: memref<512xi32, #tpu.memory_space<smem>>) -> (i32, i32, i32) {
    %mul3A = arith.constant 32 : i32
    %mul3A_0 = arith.muli %arg0, %mul3A : i32
    %add3A = arith.constant 23 : i32
    %add3A_1 = arith.addi %mul3A_0, %add3A : i32
    %get3A = arith.index_cast %add3A_1 : i32 to index
    %get3A_2 = memref.load %arg1[%get3A] : memref<512xi32, #tpu.memory_space<smem>>
    %c0_i32 = arith.constant 0 : i32
    %c0_i32_3 = arith.constant 0 : i32
    %c0_i32_4 = arith.constant 0 : i32
    return %get3A_2, %c0_i32, %c0_i32_3 : i32, i32, i32
  }
  func.func @transform_24(%arg0: i32, %arg1: memref<512xi32, #tpu.memory_space<smem>>, %arg2: memref<512xi32, #tpu.memory_space<smem>>) -> (i32, i32, i32) {
    %mul3A = arith.constant 32 : i32
    %mul3A_0 = arith.muli %arg0, %mul3A : i32
    %add3A = arith.constant 24 : i32
    %add3A_1 = arith.addi %mul3A_0, %add3A : i32
    %get3A = arith.index_cast %add3A_1 : i32 to index
    %get3A_2 = memref.load %arg1[%get3A] : memref<512xi32, #tpu.memory_space<smem>>
    %c0_i32 = arith.constant 0 : i32
    %c0_i32_3 = arith.constant 0 : i32
    %c0_i32_4 = arith.constant 0 : i32
    return %get3A_2, %c0_i32, %c0_i32_3 : i32, i32, i32
  }
  func.func @transform_25(%arg0: i32, %arg1: memref<512xi32, #tpu.memory_space<smem>>, %arg2: memref<512xi32, #tpu.memory_space<smem>>) -> (i32, i32, i32) {
    %mul3A = arith.constant 32 : i32
    %mul3A_0 = arith.muli %arg0, %mul3A : i32
    %add3A = arith.constant 25 : i32
    %add3A_1 = arith.addi %mul3A_0, %add3A : i32
    %get3A = arith.index_cast %add3A_1 : i32 to index
    %get3A_2 = memref.load %arg1[%get3A] : memref<512xi32, #tpu.memory_space<smem>>
    %c0_i32 = arith.constant 0 : i32
    %c0_i32_3 = arith.constant 0 : i32
    %c0_i32_4 = arith.constant 0 : i32
    return %get3A_2, %c0_i32, %c0_i32_3 : i32, i32, i32
  }
  func.func @transform_26(%arg0: i32, %arg1: memref<512xi32, #tpu.memory_space<smem>>, %arg2: memref<512xi32, #tpu.memory_space<smem>>) -> (i32, i32, i32) {
    %mul3A = arith.constant 32 : i32
    %mul3A_0 = arith.muli %arg0, %mul3A : i32
    %add3A = arith.constant 26 : i32
    %add3A_1 = arith.addi %mul3A_0, %add3A : i32
    %get3A = arith.index_cast %add3A_1 : i32 to index
    %get3A_2 = memref.load %arg1[%get3A] : memref<512xi32, #tpu.memory_space<smem>>
    %c0_i32 = arith.constant 0 : i32
    %c0_i32_3 = arith.constant 0 : i32
    %c0_i32_4 = arith.constant 0 : i32
    return %get3A_2, %c0_i32, %c0_i32_3 : i32, i32, i32
  }
  func.func @transform_27(%arg0: i32, %arg1: memref<512xi32, #tpu.memory_space<smem>>, %arg2: memref<512xi32, #tpu.memory_space<smem>>) -> (i32, i32, i32) {
    %mul3A = arith.constant 32 : i32
    %mul3A_0 = arith.muli %arg0, %mul3A : i32
    %add3A = arith.constant 27 : i32
    %add3A_1 = arith.addi %mul3A_0, %add3A : i32
    %get3A = arith.index_cast %add3A_1 : i32 to index
    %get3A_2 = memref.load %arg1[%get3A] : memref<512xi32, #tpu.memory_space<smem>>
    %c0_i32 = arith.constant 0 : i32
    %c0_i32_3 = arith.constant 0 : i32
    %c0_i32_4 = arith.constant 0 : i32
    return %get3A_2, %c0_i32, %c0_i32_3 : i32, i32, i32
  }
  func.func @transform_28(%arg0: i32, %arg1: memref<512xi32, #tpu.memory_space<smem>>, %arg2: memref<512xi32, #tpu.memory_space<smem>>) -> (i32, i32, i32) {
    %mul3A = arith.constant 32 : i32
    %mul3A_0 = arith.muli %arg0, %mul3A : i32
    %add3A = arith.constant 28 : i32
    %add3A_1 = arith.addi %mul3A_0, %add3A : i32
    %get3A = arith.index_cast %add3A_1 : i32 to index
    %get3A_2 = memref.load %arg1[%get3A] : memref<512xi32, #tpu.memory_space<smem>>
    %c0_i32 = arith.constant 0 : i32
    %c0_i32_3 = arith.constant 0 : i32
    %c0_i32_4 = arith.constant 0 : i32
    return %get3A_2, %c0_i32, %c0_i32_3 : i32, i32, i32
  }
  func.func @transform_29(%arg0: i32, %arg1: memref<512xi32, #tpu.memory_space<smem>>, %arg2: memref<512xi32, #tpu.memory_space<smem>>) -> (i32, i32, i32) {
    %mul3A = arith.constant 32 : i32
    %mul3A_0 = arith.muli %arg0, %mul3A : i32
    %add3A = arith.constant 29 : i32
    %add3A_1 = arith.addi %mul3A_0, %add3A : i32
    %get3A = arith.index_cast %add3A_1 : i32 to index
    %get3A_2 = memref.load %arg1[%get3A] : memref<512xi32, #tpu.memory_space<smem>>
    %c0_i32 = arith.constant 0 : i32
    %c0_i32_3 = arith.constant 0 : i32
    %c0_i32_4 = arith.constant 0 : i32
    return %get3A_2, %c0_i32, %c0_i32_3 : i32, i32, i32
  }
  func.func @transform_30(%arg0: i32, %arg1: memref<512xi32, #tpu.memory_space<smem>>, %arg2: memref<512xi32, #tpu.memory_space<smem>>) -> (i32, i32, i32) {
    %mul3A = arith.constant 32 : i32
    %mul3A_0 = arith.muli %arg0, %mul3A : i32
    %add3A = arith.constant 30 : i32
    %add3A_1 = arith.addi %mul3A_0, %add3A : i32
    %get3A = arith.index_cast %add3A_1 : i32 to index
    %get3A_2 = memref.load %arg1[%get3A] : memref<512xi32, #tpu.memory_space<smem>>
    %c0_i32 = arith.constant 0 : i32
    %c0_i32_3 = arith.constant 0 : i32
    %c0_i32_4 = arith.constant 0 : i32
    return %get3A_2, %c0_i32, %c0_i32_3 : i32, i32, i32
  }
  func.func @transform_31(%arg0: i32, %arg1: memref<512xi32, #tpu.memory_space<smem>>, %arg2: memref<512xi32, #tpu.memory_space<smem>>) -> (i32, i32, i32) {
    %mul3A = arith.constant 32 : i32
    %mul3A_0 = arith.muli %arg0, %mul3A : i32
    %add3A = arith.constant 31 : i32
    %add3A_1 = arith.addi %mul3A_0, %add3A : i32
    %get3A = arith.index_cast %add3A_1 : i32 to index
    %get3A_2 = memref.load %arg1[%get3A] : memref<512xi32, #tpu.memory_space<smem>>
    %c0_i32 = arith.constant 0 : i32
    %c0_i32_3 = arith.constant 0 : i32
    %c0_i32_4 = arith.constant 0 : i32
    return %get3A_2, %c0_i32, %c0_i32_3 : i32, i32, i32
  }
  func.func @transform_32(%arg0: i32, %arg1: memref<512xi32, #tpu.memory_space<smem>>, %arg2: memref<512xi32, #tpu.memory_space<smem>>) -> (i32, i32, i32) {
    %c0_i32 = arith.constant 0 : i32
    %c0_i32_0 = arith.constant 0 : i32
    %c0_i32_1 = arith.constant 0 : i32
    return %arg0, %c0_i32, %c0_i32_0 : i32, i32, i32
  }
}

</mosaic_0001>

<sc_bundles>
// kernel: _sample.4.cloned.1.call-start
scs
__scs_entry_jumppad:
0x0: {  	(pc) =	sbr.rel $0x88, $3  }
0x1: {  	(tag) =	ssettag $0x0;
	lr =	simm.s32 $0x1  }
0x2: {  	[smem:$0x3F97] =	sst lr;
	_ =	strace $0xD0000000  }
0x3: {  	_ = 	snop  }
0x4: {  	_ = 	snop  }
0x5: {  	_ = 	snop  }
0x6: {  	_ = 	snop  }
0x7: {  	_ = 	snop  }
__scs_overlays_trampoline_lowered:
0x8: {  	[smem:$0x3FA6] =	sst s0  }
0x9: {  	[smem:$0x3FA7] =	sst s1  }
0xa: {  	[smem:$0x3FA8] =	sst s2  }
0xb: {  	[smem:$0x3FA9] =	sst s3  }
0xc: {  	[smem:$0x3FAA] =	sst s4  }
0xd: {  	[smem:$0x3FAB] =	sst s5  }
0xe: {  	[smem:$0x3FAC] =	sst s6  }
0xf: {  	[smem:$0x3FAD] =	sst s7  }
0x10: {  	[smem:$0x3FAE] =	sst s8  }
0x11: {  	[smem:$0x3FAF] =	sst s9;
	s0 =	simm.s32 @!p0 $0x0  }
0x12: {  	s1 =	sld [smem:$0x3F95];
	s0 =	simm.s32 @p0 $0x1  }
0x13: {  	[smem:$0x3FB0] =	sst s0;
	s0 =	simm.s32 @!p1 $0x0  }
0x14: {  	s2 =	sld [smem:$0x3F94];
	s0 =	simm.s32 @p1 $0x1  }
0x15: {  	[smem:$0x3FB1] =	sst s0;
	s0 =	simm.s32 @!p2 $0x0  }
0x16: {  	s3 =	sld [smem:$0x3FDB];
	s0 =	simm.s32 @p2 $0x1  }
0x17: {  	s4 =	simm.s32 $0x1BF5;
	[smem:$0x3FB3] =	sst s0  }
0x18: {  	s0 =	sld [smem:$0x3F96];
	_ =	swait.ge [sflag:s4], $0x0  }
0x19: {  	s7 =	sld [smem:$0x3F97]  }
0x1a: {  	s8 =	sadd.s32 $0xFFFFE003, lr  }
0x1b: {  	s9 =	sadd.s32 $0xFFFFFEF7, lr;
	s5 =	simm.s32 $0xFFFFFFFF;
	p2 =	slt.u32 s8, $0xFFFFF086  }
0x1c: {  	p1 =	slt.u32 s9, $0xF7A;
	s5 =	simm.s32 @!p2 $0x0  }
0x1d: {  	s5 =	simm.s32 @p1 $0x1;
	p0 =	seq.s32 s7, s2  }
0x1e: {  	s7 =	smul.u32 @!p0 $0xF7A, s2;
	p2 =	seq.s32 @!p0 s5, $0x0  }
0x1f: {  	s9 =	smul.u32 $0xF7A, s1;
	s8 =	simm.s32 @!p0 $0x1BF5;
	p2 =	por !p2, p0  }
0x20: {  	[sflag:s8] =	ssyncset.s32 @!p0 $0xFFFFF086;
	s6 =	sadd.s32 @!p0 s3, s7;
	s7 =	simm.s32 @!p0 $0x108  }
0x21: {  	s3 =	sadd.s32 s3, s9;
	s6 =	sadd.s32 @!p0 $0x88, s6;
	s7 =	simm.s32 @p2 $0x1082  }
0x22: {  	[simem:s7], [sflag:s8] =	dma.local @!p0 [hbm:s6], $0xF7A  }
0x23: {  	s9 =	sor.u32 $0xD0000000, s2;
	s6 =	simm.s32 $0x108;
	_ =	swait.ge @!p0 [sflag:s8], $0x0  }
0x24: {  	s3 =	sadd.s32 $0x88, s3;
	s6 =	simm.s32 @!p1 $0x1082;
	[sflag:s4] =	ssyncset.s32 $0xFFFFF086  }
0x25: {  	[simem:s6], [sflag:s4] =	dma.local [hbm:s3], $0xF7A  }
0x26: {  	[smem:$0x3F97] =	sst s1;
	(tag) =	ssettag s2;
	_ =	strace s9  }
0x27: {  	s1 =	sld [smem:$0x3FA7]  }
0x28: {  	s2 =	sld [smem:$0x3FA8]  }
0x29: {  	s4 =	sld [smem:$0x3FAA]  }
0x2a: {  	p0 =	seq.s32 s5, $0x0;
	s5 =	sld [smem:$0x3FAB]  }
0x2b: {  	s6 =	sld [smem:$0x3FAC]  }
0x2c: {  	s7 =	sld [smem:$0x3FAD]  }
0x2d: {  	s3 =	simm.s32 $0x108;
	s8 =	sld [smem:$0x3FAE]  }
0x2e: {  	s3 =	simm.s32 @!p0 $0x1082;
	s9 =	sld [smem:$0x3FAF]  }
0x2f: {  	lr =	sadd.s32 s0, s3;
	s0 =	sld [smem:$0x3FA6]  }
0x30: {  	s3 =	sld [smem:$0x3FA9]  }
0x31: {  	[smem:$0x3FB2] =	sst s10  }
0x32: {  	s10 =	sld [smem:$0x3FB0];
	_ =	sdelay $0x3  }
0x33: {  	p0 =	seq.s32 s10, $0x1;
	s10 =	sld [smem:$0x3FB2];
	_ =	sdelay $0x3  }
0x34: {  	[smem:$0x3FB2] =	sst s10  }
0x35: {  	s10 =	sld [smem:$0x3FB1];
	_ =	sdelay $0x3  }
0x36: {  	p1 =	seq.s32 s10, $0x1;
	s10 =	sld [smem:$0x3FB2];
	_ =	sdelay $0x3  }
0x37: {  	[smem:$0x3FB2] =	sst s10  }
0x38: {  	s10 =	sld [smem:$0x3FB3]  }
0x39: {  	_ = 	snop;
	(pc) =	sbr.ind lr, $3  }
0x3a: {  	_ = 	snop  }
0x3b: {  	_ = 	snop  }
0x3c: {  	p2 =	seq.s32 s10, $0x1;
	s10 =	sld [smem:$0x3FB2]  }
0x3d: {  	_ =	shalt  }
0x3e: {  	_ =	shalt  }
0x3f: {  	_ =	shalt  }
0x40: {  	_ =	shalt  }
0x41: {  	_ =	shalt  }
0x42: {  	_ =	shalt  }
0x43: {  	_ =	shalt  }
0x44: {  	_ =	shalt  }
0x45: {  	_ =	shalt  }
0x46: {  	_ =	shalt  }
0x47: {  	_ =	shalt  }
0x48: {  	_ =	shalt  }
0x49: {  	_ =	shalt  }
0x4a: {  	_ =	shalt  }
0x4b: {  	_ =	shalt  }
0x4c: {  	_ =	shalt  }
0x4d: {  	_ =	shalt  }
0x4e: {  	_ =	shalt  }
0x4f: {  	_ =	shalt  }
0x50: {  	_ =	shalt  }
0x51: {  	_ =	shalt  }
0x52: {  	_ =	shalt  }
0x53: {  	_ =	shalt  }
0x54: {  	_ =	shalt  }
0x55: {  	_ =	shalt  }
0x56: {  	_ =	shalt  }
0x57: {  	_ =	shalt  }
0x58: {  	_ =	shalt  }
0x59: {  	_ =	shalt  }
0x5a: {  	_ =	shalt  }
0x5b: {  	_ =	shalt  }
0x5c: {  	_ =	shalt  }
0x5d: {  	_ =	shalt  }
0x5e: {  	_ =	shalt  }
0x5f: {  	_ =	shalt  }
0x60: {  	_ =	shalt  }
0x61: {  	_ =	shalt  }
0x62: {  	_ =	shalt  }
0x63: {  	_ =	shalt  }
0x64: {  	_ =	shalt  }
0x65: {  	_ =	shalt  }
0x66: {  	_ =	shalt  }
0x67: {  	_ =	shalt  }
0x68: {  	_ =	shalt  }
0x69: {  	_ =	shalt  }
0x6a: {  	_ =	shalt  }
0x6b: {  	_ =	shalt  }
0x6c: {  	_ =	shalt  }
0x6d: {  	_ =	shalt  }
0x6e: {  	_ =	shalt  }
0x6f: {  	_ =	shalt  }
0x70: {  	_ =	shalt  }
0x71: {  	_ =	shalt  }
0x72: {  	_ =	shalt  }
0x73: {  	_ =	shalt  }
0x74: {  	_ =	shalt  }
0x75: {  	_ =	shalt  }
0x76: {  	_ =	shalt  }
0x77: {  	_ =	shalt  }
0x78: {  	_ =	shalt  }
0x79: {  	_ =	shalt  }
0x7a: {  	_ =	shalt  }
0x7b: {  	_ =	shalt  }
0x7c: {  	_ =	shalt  }
0x7d: {  	_ =	shalt  }
0x7e: {  	_ =	shalt  }
0x7f: {  	_ =	shalt  }
0x80: {  	_ =	shalt  }
0x81: {  	_ =	shalt  }
0x82: {  	_ =	shalt  }
0x83: {  	_ =	shalt  }
0x84: {  	_ =	shalt  }
0x85: {  	_ =	shalt  }
0x86: {  	_ =	shalt  }
0x87: {  	_ =	shalt  }
.Lfunc_end0:
.L_simem_size_0:
called_computation_lowered:
.L_overlay_start_0:
0x88: {  	s2 =	sld [smem:$0x3FD9]  }
0x89: {  	s3 =	sld [smem:$0x3FFE];
	_ =	sdelay $0x1  }
0x8a: {  	s1 =	srdreg.scid  }
0x8b: {  	s0 =	sand.u32 $0x1, s1  }
0x8c: {  	s22 =	sshll.u32 s0, $0xA;
	s2 =	sadd.s32 s3, s2  }
0x8d: {  	s2 =	sadd.s32 s2, s22  }
0x8e: {  	[smem:$0x3FBE] =	sst s2  }
0x8f: {  	_ = 	snop  }
0x90: {  	s2 =	sld [smem:$0x3FC9]  }
0x91: {  	s3 =	sld [smem:$0x3FC7]  }
0x92: {  	s4 =	sld [smem:$0x3FC6]  }
0x93: {  	s5 =	sld [smem:$0x3FC5]  }
0x94: {  	s6 =	sld [smem:$0x3FC4]  }
0x95: {  	s7 =	sld [smem:$0x3FC3]  }
0x96: {  	s11 =	sld [smem:$0x3FD0]  }
0x97: {  	s8 =	sld [smem:$0x3FC2]  }
0x98: {  	s9 =	sld [smem:$0x3FC1]  }
0x99: {  	s16 =	simm.s32 $0xA;
	s12 =	simm.s32 $0x10;
	s10 =	sld [smem:$0x3FC0]  }
0x9a: {  	[smem:s12], [sflag:s16] =	dma.local [hbm:s11], $0x1  }
0x9b: {  	_ =	swait.eq [sflag:s16], $0x1  }
0x9c: {  	s11 =	sld [smem:$0x10]  }
0x9d: {  	s12 =	sld [smem:$0x12]  }
0x9e: {  	s13 =	sld [smem:$0x13]  }
0x9f: {  	s14 =	sld [smem:$0x14]  }
0xa0: {  	s15 =	sld [smem:$0x15];
	[sflag:s16] =	ssyncset.done $0x0  }
0xa1: {  	s17 =	sld [smem:$0x16];
	[sflag:s16] =	ssyncadd.s32 $0xFFFFFFFF  }
0xa2: {  	s18 =	sld [smem:$0x17];
	(tm) =	ssettm $0x1  }
0xa3: {  	s23 =	sld [smem:$0x3FFB];
	_ =	sdelay $0x3  }
0xa4: {  	_ =	strace s23  }
0xa5: {  	s16 =	sld [smem:$0x3FFC];
	_ =	sdelay $0x3  }
0xa6: {  	_ =	strace s16  }
0xa7: {  	s16 =	sld [smem:$0x3FFD];
	_ =	sdelay $0x3  }
0xa8: {  	_ =	strace s16  }
0xa9: {  	_ =	strace $0x8FFFFFFF  }
0xaa: {  	s24 =	sld [smem:$0x3FDB];
	_ =	sdelay $0x1  }
0xab: {  	s19 =	simm.s32 $_scs_section_size  }
0xac: {  	s20 =	simm.s32 $_size__tile_task_arg_handler_lowered;
	s21 =	simm.s32 $_tile_task_arg_handler_lowered  }
0xad: {  	s28 =	simm.s32 $0x1BFF;
	s26 =	sshll.u32 s21, $0x1;
	s19 =	sadd.s32 s19, s24  }
0xae: {  	s25 =	sshll.u32 s20, $0x1;
	s22 =	simm.s32 $0x60;
	s20 =	sadd.s32 s26, s19  }
0xaf: {  	[timem:s22], [sflag:s28] =	dma.local [hbm:s20], s25  }
0xb0: {  	_ =	swait.ge [sflag:s28], s25  }
0xb1: {  	s29 =	simm.s32 $_tile_overlayer_lowered;
	s16 =	ssub.s32 $0x0, s25;
	[sflag:s28] =	ssyncset.done $0x0  }
0xb2: {  	s30 =	simm.s32 $_size__tile_overlayer_lowered;
	s20 =	sshll.u32 s29, $0x1;
	[sflag:s28] =	ssyncadd.s32 s16  }
0xb3: {  	s31 =	sshll.u32 s30, $0x1;
	s20 =	sadd.s32 s20, s19;
	s16 =	simm.s32 $0x0  }
0xb4: {  	[timem:s16], [sflag:s28] =	dma.local [hbm:s20], s31  }
0xb5: {  	_ =	swait.ge [sflag:s28], s31  }
0xb6: {  	s23 =	ssub.s32 $0x0, s31;
	[sflag:s28] =	ssyncset.done $0x0  }
0xb7: {  	[sflag:s28] =	ssyncadd.s32 s23;
	_ =	sdelay $0x1  }
0xb8: {  	s24 =	simm.s32 $0x1B8B  }
0xb9: {  	_ =	swait.ge [sflag:s24], $0x1  }
0xba: {  	[sflag:s24] =	ssyncset.done $0x0  }
0xbb: {  	s25 =	simm.s32 $0x1B8E;
	[sflag:s24] =	ssyncadd.s32 $0xFFFFFFFF  }
0xbc: {  	s26 =	simm.s32 $execute0_lowered;
	[smem:$0x3FD2] =	sst s25  }
0xbd: {  	s20 =	sshll.u32 s26, $0x1;
	_ =	strace $0x80000046;
	[dreg:$0x1] =	wrdreg $0xFFFFFFFF  }
0xbe: {  	s19 =	sadd.s32 s19, s20;
	s28 =	simm.s32 $_size_execute0_lowered;
	[dreg:$0x0] =	wrdreg $0x0  }
0xbf: {  	s20 =	sshll.u32 s28, $0x1;
	[dreg:$0x2] =	wrdreg s19  }
0xc0: {  	[dreg:$0x3] =	wrdreg s20  }
0xc1: {  	[dreg:$0x4] =	wrdreg $0xC0  }
0xc2: {  	_ =	task [dreg:s16], $0x5FFFF  }
0xc3: {  	[dreg:$0x1] =	wrdreg $0xFFFFFFFF  }
0xc4: {  	[dreg:$0x0] =	wrdreg $0x30  }
0xc5: {  	[dreg:$0x2] =	wrdreg $0x0  }
0xc6: {  	[dreg:$0x3] =	wrdreg s17  }
0xc7: {  	[dreg:$0x4] =	wrdreg s18  }
0xc8: {  	[dreg:$0x5] =	wrdreg $0x9  }
0xc9: {  	_ =	task [dreg:s16], $0x6FFFF  }
0xca: {  	[dreg:$0x1] =	wrdreg $0xFFFFFFFF  }
0xcb: {  	[dreg:$0x0] =	wrdreg $0x60  }
0xcc: {  	[dreg:$0x2] =	wrdreg s2  }
0xcd: {  	[dreg:$0x3] =	wrdreg s3  }
0xce: {  	[dreg:$0x4] =	wrdreg s4  }
0xcf: {  	[dreg:$0x5] =	wrdreg s5  }
0xd0: {  	[dreg:$0x6] =	wrdreg s6  }
0xd1: {  	[dreg:$0x7] =	wrdreg s7  }
0xd2: {  	[dreg:$0x8] =	wrdreg s8  }
0xd3: {  	[dreg:$0x9] =	wrdreg s9  }
0xd4: {  	[dreg:$0xa] =	wrdreg s10  }
0xd5: {  	[dreg:$0xb] =	wrdreg s11  }
0xd6: {  	[dreg:$0xc] =	wrdreg s12  }
0xd7: {  	[dreg:$0xd] =	wrdreg s13  }
0xd8: {  	[dreg:$0xe] =	wrdreg s14  }
0xd9: {  	[dreg:$0xf] =	wrdreg s15  }
0xda: {  	_ =	task.clear_ibuf [dreg:s16], $0x10FFFF;
	_ =	strace $0x90000046  }
0xdb: {  	s29 =	simm.s32 $0x9;
	_ =	strace $0x80000048  }
0xdc: {  	_ =	swait.ge [sflag:s29], $0x1  }
0xdd: {  	[sflag:s29] =	ssyncadd.s32 $0xFFFFFFFF  }
0xde: {  	_ =	strace $0x90000048  }
0xdf: {  	_ =	sfence  }
0xe0: {  	s30 =	sld [smem:$0x0];
	_ =	sdelay $0x2  }
0xe1: {  	s31 =	sshll.u32 s1, $0xD;
	s1 =	sshrl.u32 s1, $0x2  }
0xe2: {  	s3 =	sand.u32 $0x4000, s31;
	s1 =	sadd.s32 s1, s30  }
0xe3: {  	s0 =	sor.u32 s3, s0;
	s1 =	sshll.u32 s1, $0x11  }
0xe4: {  	s0 =	sor.u32 s1, s0  }
0xe5: {  	s0 =	sadd.s32 $0x8F2B, s0  }
0xe6: {  	[sflag:s0] =	ssyncadd.remote.s32 $0x1  }
0xe7: {  	_ =	sfence.sel $0xFFFF  }
0xe8: {  	[dreg:$0x0] =	wrdreg $0xFFFFFFFF;
	(pc) =	sbr.abs _section_cstart, $3  }
0xe9: {  	[dreg:$0x1] =	wrdreg $0xFFFFFFFF  }
0xea: {  	_ =	task.clear_ibuf [dreg:s16], $0x2FFFF;
	_ =	strace $0x9FFFFFFF  }
0xeb: {  	(tm) =	ssettm $0x7FFFFFFF  }
tec
_tile_task_arg_handler_lowered:
.L_overlay_start_1:
0x0: {  	(tag) =	ssettag $0x1  }
0x1: {  	s0 =	rddreg [dreg:$0x0]  }
0x2: {  	s1 =	rddreg [dreg:$0x1]  }
0x3: {  	s2 =	rddreg [dreg:$0x2]  }
0x4: {  	s3 =	rddreg [dreg:$0x3]  }
0x5: {  	s4 =	rddreg [dreg:$0x4]  }
0x6: {  	s5 =	rddreg [dreg:$0x5]  }
0x7: {  	s6 =	rddreg [dreg:$0x6]  }
0x8: {  	s7 =	rddreg [dreg:$0x7]  }
0x9: {  	s8 =	rddreg [dreg:$0x8]  }
0xa: {  	s9 =	rddreg [dreg:$0x9]  }
0xb: {  	s10 =	rddreg [dreg:$0xa]  }
0xc: {  	s11 =	rddreg [dreg:$0xb]  }
0xd: {  	s12 =	rddreg [dreg:$0xc]  }
0xe: {  	s13 =	rddreg [dreg:$0xd]  }
0xf: {  	[smem:s0] =	sst s1  }
0x10: {  	[smem:s0+$0x1] =	sst s2  }
0x11: {  	[smem:s0+$0x2] =	sst s3  }
0x12: {  	[smem:s0+$0x3] =	sst s4  }
0x13: {  	[smem:s0+$0x4] =	sst s5  }
0x14: {  	[smem:s0+$0x5] =	sst s6  }
0x15: {  	[smem:s0+$0x6] =	sst s7  }
0x16: {  	[smem:s0+$0x7] =	sst s8  }
0x17: {  	[smem:s0+$0x8] =	sst s9  }
0x18: {  	[smem:s0+$0x9] =	sst s10  }
0x19: {  	[smem:s0+$0xA] =	sst s11  }
0x1a: {  	[smem:s0+$0xB] =	sst s12  }
0x1b: {  	[smem:s0+$0xC] =	sst s13;
	_ =	shalt  }
.Lfunc_end2:
execute0_lowered:
.L_overlay_start_2:
0x1c: {  	(tag) =	ssettag $0x2  }
0x1d: {  	s0 =	rddreg [dreg:$0x0]  }
0x1e: {  	s1 =	rddreg [dreg:$0x7]  }
0x1f: {  	s2 =	rddreg [dreg:$0x8]  }
0x20: {  	s3 =	rddreg [dreg:$0x9]  }
0x21: {  	s4 =	rddreg [dreg:$0xa]  }
0x22: {  	s5 =	rddreg [dreg:$0xb]  }
0x23: {  	s6 =	rddreg [dreg:$0xc]  }
0x24: {  	s7 =	rddreg [dreg:$0xd];
	s8 =	simm.s32 $0x0;
	s11 =	srdreg.scid  }
0x25: {  	s13 =	stileid.u32;
	[smem:$0x7FF] =	sst s8  }
0x26: {  	s28 =	simm.s32 $0x6;
	s30 =	simm.s32 $0x20;
	s12 =	sld [smem:$0x2]  }
0x27: {  	s31 =	simm.s32 $0x8440;
	s11 =	sand.u32 $0x1, s11;
	s9 =	sld [smem:$0x0]  }
0x28: {  	s29 =	simm.s32 $0x4440;
	s10 =	sld [smem:$0x1];
	s25 =	ssub.s32 $0x2, s11  }
0x29: {  	s24 =	sshll.u32 s13, $0x1;
	s26 =	sshrl.u32 s25, $0x1;
	[dreg:$0xe] =	wrdreg s12  }
0x2a: {  	s13 =	ssub.s32 s25, s26;
	s12 =	sor.u32 s11, s24;
	_ =	strace $0x80000047  }
0x2b: {  	s14 =	sshll.u32 s12, $0x1;
	s15 =	sshll.u32 s12, $0xE;
	s19 =	sshll.u32 s12, $0x7  }
0x2c: {  	s12 =	simm.s32 $0x3;
	s1 =	sadd.s32 s1, s14;
	s11 =	sadd.s32 s3, s15  }
0x2d: {  	s14 =	sadd.s32 s2, s14;
	s21 =	sadd.s32 s4, s19;
	[dreg:$0xf] =	wrdreg s1  }
0x2e: {  	s22 =	sadd.s32 s5, s19;
	s23 =	sadd.s32 s6, s19;
	[dreg:$0x10] =	wrdreg s14  }
0x2f: {  	s24 =	sadd.s32 s7, s19;
	s25 =	sadd.s32 s9, s19;
	[dreg:$0x16] =	wrdreg s21  }
0x30: {  	s9 =	simm.s32 $0x9440;
	s7 =	simm.s32 $0xA440;
	[dreg:$0x17] =	wrdreg s22  }
0x31: {  	s2 =	simm.s32 $0xC440;
	s3 =	simm.s32 $0xD440;
	[dreg:$0x18] =	wrdreg s23  }
0x32: {  	s4 =	simm.s32 $0x40;
	s5 =	simm.s32 $0x80;
	[dreg:$0x19] =	wrdreg s24  }
0x33: {  	s6 =	simm.s32 $0x440;
	s15 =	sadd.s32 $0x800, s11;
	[dreg:$0x1a] =	wrdreg s25  }
0x34: {  	s16 =	sadd.s32 $0x1000, s11;
	s17 =	sadd.s32 $0x1800, s11;
	[dreg:$0x11] =	wrdreg s15  }
0x35: {  	s18 =	sadd.s32 $0x2000, s11;
	s20 =	sadd.s32 $0x2800, s11;
	[dreg:$0x12] =	wrdreg s16  }
0x36: {  	s1 =	sadd.s32 s10, s19;
	s26 =	sadd.s32 $0x3000, s11;
	[dreg:$0x13] =	wrdreg s17  }
0x37: {  	s25 =	smax.u32 s13, $0x1;
	s10 =	simm.s32 $0x1;
	[dreg:$0x14] =	wrdreg s18  }
0x38: {  	s13 =	simm.s32 $0x2;
	s14 =	simm.s32 $0x4;
	[dreg:$0x15] =	wrdreg s20  }
0x39: {  	v3 =	vlaneseq.u32;
	s19 =	simm.s32 $0xF040;
	s21 =	simm.s32 $0xF840;
	[dreg:$0x1b] =	wrdreg s1  }
0x3a: {  	v0 =	vmul.u32 $0x2, v3;
	s22 =	simm.s32 $0x0;
	[dreg:$0x1c] =	wrdreg s26;
	s26 =	sadd.s32 $0x3800, s11  }
0x3b: {  	v2 =	vmul.u32 $0x40, v3;
	v3 =	vmul.u32 $0x100, v3;
	s1 =	simm.s32 $0xB440;
	s15 =	simm.s32 $0x5;
	s16 =	simm.s32 $0xE440  }
0x3c: {  	v1 =	vor.u32 $0x1, v0;
	s17 =	simm.s32 $0xE840;
	s18 =	simm.s32 $0xEC40;
	s20 =	simm.s32 $0xF440  }
.LBB3_1:
0x3d: {  	s23 =	rddreg [dreg:$0xf]  }
0x3e: {  	[tilespmem:s8], [sflag:$0x6] =	stream.linear.gather [hbm4b:s23+s8], $0x10, $0x38;
	[tilespmem:$0xFC40] =	vst v63  }
0x3f: {  	_ =	swait.ge [sflag:s28], $0x10  }
0x40: {  	[sflag:s28] =	ssyncset.done $0x0  }
0x41: {  	s24 =	simm.s32 $0x10;
	s23 =	rddreg [dreg:$0x10];
	[sflag:s28] =	ssyncadd.s32 $0xFFFFFFF0  }
0x42: {  	[tilespmem:s24], [sflag:$0x6] =	stream.linear.gather [hbm4b:s23+s8], $0x10, $0x38;
	[tilespmem:$0xFC40] =	vst v63  }
0x43: {  	_ =	swait.ge [sflag:s28], $0x10  }
0x44: {  	[sflag:s28] =	ssyncset.done $0x0  }
0x45: {  	[sflag:s28] =	ssyncadd.s32 $0xFFFFFFF0  }
0x46: {  	v5 =	vld [tilespmem:$0x0];
	_ =	sdelay $0x4  }
0x47: {  	v6 =	vshll.u32 v5, $0x1  }
0x48: {  	v4 =	vld [tilespmem:$0x10];
	[tilespmem:v0+s30+$0x0] =	vst.idx.msk $0xffff, v6;
	v6 =	vor.u32 $0x1, v6  }
0x49: {  	s24 =	rddreg [dreg:$0x1];
	[tilespmem:v1+s30+$0x0] =	vst.idx.msk $0xffff, v6  }
0x4a: {  	[tilespmem:s31], [sflag:$0x5] =	stream.indirect.gather [hbm4b:s24+s30], $0x80, s30, s30, $0xb8;
	[tilespmem:$0xFC40] =	vst v63  }
0x4b: {  	s24 =	rddreg [dreg:$0x2]  }
0x4c: {  	[tilespmem:s9], [sflag:$0x5] =	stream.indirect.gather [hbm4b:s24+s30], $0x80, s30, s30, $0xb8;
	[tilespmem:$0xFC40] =	vst v63  }
0x4d: {  	s24 =	rddreg [dreg:$0x3]  }
0x4e: {  	[tilespmem:s7], [sflag:$0x5] =	stream.indirect.gather [hbm4b:s24+s30], $0x80, s30, s30, $0xb8;
	[tilespmem:$0xFC40] =	vst v63  }
0x4f: {  	s24 =	rddreg [dreg:$0x4]  }
0x50: {  	v6 =	vor.u32 s8, v2;
	[tilespmem:s1], [sflag:$0x5] =	stream.indirect.gather [hbm4b:s24+s30], $0x80, s30, s30, $0xb8;
	[tilespmem:$0xFC40] =	vst v63  }
0x51: {  	s24 =	rddreg [dreg:$0x5]  }
0x52: {  	v5 =	vshll.u32 v5, $0x8;
	[tilespmem:s2], [sflag:$0x5] =	stream.indirect.gather [hbm4b:s24+s30], $0x80, s30, s30, $0xb8;
	[tilespmem:$0xFC40] =	vst v63  }
0x53: {  	s23 =	simm.s32 $0x1;
	v5 =	vadd.s32 v4, v5;
	s24 =	rddreg [dreg:$0x6]  }
0x54: {  	v7 =	vadd.s32 s8, v5;
	[tilespmem:s3], [sflag:$0x5] =	stream.indirect.gather [hbm4b:s24+s30], $0x80, s30, s30, $0xb8;
	[tilespmem:$0xFC40] =	vst v63  }
.LBB3_2:
0x55: {  	p0 =	sne.s32 s23, $0x3F;
	[tilespmem:v6+s4+$0x0] =	vst.idx.msk $0xffff, v7;
	s24 =	smov.u32 s23;
	s23 =	sadd.s32 $0x1, s23  }
.Ltmp0:
0x56: {  	v6 =	vor.u32 s24, v2;
	(pc) =	sbr.rel @p0 .LBB3_2-.Ltmp0, $2  }
0x57: {  	_ =	sdelay $0x2  }
0x58: {  	v7 =	vadd.s32 s24, v5  }
0x59: {  	_ =	sdelay $0x3  }
0x5a: {  	[tilespmem:v6+s4+$0x0] =	vst.idx.msk $0xffff, v7  }
0x5b: {  	[tilespmem:s6], [sflag:$0x1] =	stream.indirect.gather [hbm4b:s0+s5], $0x80, s4, s5, $0xb8;
	[tilespmem:$0xFC40] =	vst v63  }
0x5c: {  	s23 =	simm.s32 $0xC0  }
0x5d: {  	[tilespmem:s29], [sflag:$0x2] =	stream.indirect.gather [hbm4b:s0+s5], $0x80, s23, s5, $0xb8;
	[tilespmem:$0xFC40] =	vst v63  }
0x5e: {  	_ =	swait.ge [sflag:s10], $0x4000  }
0x5f: {  	[sflag:s10] =	ssyncset.done $0x0  }
0x60: {  	s23 =	simm.s32 $0x0;
	[sflag:s10] =	ssyncadd.s32 $0xFFFFC000  }
0x61: {  	[hbm4b:s11+s23] =	stream.linear.scatter [tilespmem:s6], [sflag:$0x3], $0x4000, $0x38;
	[tilespmem:$0xFC40] =	vst v63  }
0x62: {  	_ =	swait.ge [sflag:s12], $0x4000  }
0x63: {  	[sflag:s12] =	ssyncset.done $0x0  }
0x64: {  	s24 =	simm.s32 $0x140;
	[sflag:s12] =	ssyncadd.s32 $0xFFFFC000  }
0x65: {  	[tilespmem:s6], [sflag:$0x1] =	stream.indirect.gather [hbm4b:s0+s5], $0x80, s24, s5, $0xb8;
	[tilespmem:$0xFC40] =	vst v63  }
0x66: {  	_ =	swait.ge [sflag:s13], $0x4000  }
0x67: {  	[sflag:s13] =	ssyncset.done $0x0  }
0x68: {  	s24 =	rddreg [dreg:$0x11];
	[sflag:s13] =	ssyncadd.s32 $0xFFFFC000  }
0x69: {  	[hbm4b:s24+s23] =	stream.linear.scatter [tilespmem:s29], [sflag:$0x4], $0x4000, $0x38;
	[tilespmem:$0xFC40] =	vst v63  }
0x6a: {  	_ =	swait.ge [sflag:s14], $0x4000  }
0x6b: {  	[sflag:s14] =	ssyncset.done $0x0  }
0x6c: {  	s24 =	simm.s32 $0x1C0;
	[sflag:s14] =	ssyncadd.s32 $0xFFFFC000  }
0x6d: {  	[tilespmem:s29], [sflag:$0x2] =	stream.indirect.gather [hbm4b:s0+s5], $0x80, s24, s5, $0xb8;
	[tilespmem:$0xFC40] =	vst v63  }
0x6e: {  	_ =	swait.ge [sflag:s10], $0x4000  }
0x6f: {  	[sflag:s10] =	ssyncset.done $0x0  }
0x70: {  	s24 =	rddreg [dreg:$0x12];
	[sflag:s10] =	ssyncadd.s32 $0xFFFFC000  }
0x71: {  	[hbm4b:s24+s23] =	stream.linear.scatter [tilespmem:s6], [sflag:$0x3], $0x4000, $0x38;
	[tilespmem:$0xFC40] =	vst v63  }
0x72: {  	_ =	swait.ge [sflag:s12], $0x4000  }
0x73: {  	[sflag:s12] =	ssyncset.done $0x0  }
0x74: {  	s24 =	simm.s32 $0x240;
	[sflag:s12] =	ssyncadd.s32 $0xFFFFC000  }
0x75: {  	[tilespmem:s6], [sflag:$0x1] =	stream.indirect.gather [hbm4b:s0+s5], $0x80, s24, s5, $0xb8;
	[tilespmem:$0xFC40] =	vst v63  }
0x76: {  	_ =	swait.ge [sflag:s13], $0x4000  }
0x77: {  	[sflag:s13] =	ssyncset.done $0x0  }
0x78: {  	s24 =	rddreg [dreg:$0x13];
	[sflag:s13] =	ssyncadd.s32 $0xFFFFC000  }
0x79: {  	[hbm4b:s24+s23] =	stream.linear.scatter [tilespmem:s29], [sflag:$0x4], $0x4000, $0x38;
	[tilespmem:$0xFC40] =	vst v63  }
0x7a: {  	_ =	swait.ge [sflag:s14], $0x4000  }
0x7b: {  	[sflag:s14] =	ssyncset.done $0x0  }
0x7c: {  	s24 =	simm.s32 $0x2C0;
	[sflag:s14] =	ssyncadd.s32 $0xFFFFC000  }
0x7d: {  	[tilespmem:s29], [sflag:$0x2] =	stream.indirect.gather [hbm4b:s0+s5], $0x80, s24, s5, $0xb8;
	[tilespmem:$0xFC40] =	vst v63  }
0x7e: {  	_ =	swait.ge [sflag:s10], $0x4000  }
0x7f: {  	[sflag:s10] =	ssyncset.done $0x0  }
0x80: {  	s24 =	rddreg [dreg:$0x14];
	[sflag:s10] =	ssyncadd.s32 $0xFFFFC000  }
0x81: {  	[hbm4b:s24+s23] =	stream.linear.scatter [tilespmem:s6], [sflag:$0x3], $0x4000, $0x38;
	[tilespmem:$0xFC40] =	vst v63  }
0x82: {  	_ =	swait.ge [sflag:s12], $0x4000  }
0x83: {  	[sflag:s12] =	ssyncset.done $0x0  }
0x84: {  	s24 =	simm.s32 $0x340;
	[sflag:s12] =	ssyncadd.s32 $0xFFFFC000  }
0x85: {  	[tilespmem:s6], [sflag:$0x1] =	stream.indirect.gather [hbm4b:s0+s5], $0x80, s24, s5, $0xb8;
	[tilespmem:$0xFC40] =	vst v63  }
0x86: {  	_ =	swait.ge [sflag:s13], $0x4000  }
0x87: {  	[sflag:s13] =	ssyncset.done $0x0  }
0x88: {  	s24 =	rddreg [dreg:$0x15];
	[sflag:s13] =	ssyncadd.s32 $0xFFFFC000  }
0x89: {  	[hbm4b:s24+s23] =	stream.linear.scatter [tilespmem:s29], [sflag:$0x4], $0x4000, $0x38;
	[tilespmem:$0xFC40] =	vst v63  }
0x8a: {  	_ =	swait.ge [sflag:s14], $0x4000  }
0x8b: {  	[sflag:s14] =	ssyncset.done $0x0  }
0x8c: {  	s24 =	simm.s32 $0x3C0;
	[sflag:s14] =	ssyncadd.s32 $0xFFFFC000  }
0x8d: {  	[tilespmem:s29], [sflag:$0x2] =	stream.indirect.gather [hbm4b:s0+s5], $0x80, s24, s5, $0xb8;
	[tilespmem:$0xFC40] =	vst v63  }
0x8e: {  	_ =	swait.ge [sflag:s10], $0x4000  }
0x8f: {  	[sflag:s10] =	ssyncset.done $0x0  }
0x90: {  	s24 =	rddreg [dreg:$0x1c];
	[sflag:s10] =	ssyncadd.s32 $0xFFFFC000  }
0x91: {  	[hbm4b:s24+s23] =	stream.linear.scatter [tilespmem:s6], [sflag:$0x3], $0x4000, $0x38;
	[tilespmem:$0xFC40] =	vst v63  }
0x92: {  	_ =	swait.ge [sflag:s13], $0x4000  }
0x93: {  	[sflag:s13] =	ssyncset.done $0x0  }
0x94: {  	[sflag:s13] =	ssyncadd.s32 $0xFFFFC000  }
0x95: {  	[hbm4b:s26+s23] =	stream.linear.scatter [tilespmem:s29], [sflag:$0x4], $0x4000, $0x38;
	[tilespmem:$0xFC40] =	vst v63  }
0x96: {  	_ =	swait.ge [sflag:s12], $0x4000  }
0x97: {  	[sflag:s12] =	ssyncset.done $0x0  }
0x98: {  	[sflag:s12] =	ssyncadd.s32 $0xFFFFC000  }
0x99: {  	_ =	swait.ge [sflag:s14], $0x4000  }
0x9a: {  	[sflag:s14] =	ssyncset.done $0x0  }
0x9b: {  	[sflag:s14] =	ssyncadd.s32 $0xFFFFC000  }
0x9c: {  	_ =	swait.ge [sflag:s15], $0x1000  }
0x9d: {  	[sflag:s15] =	ssyncset.done $0x0  }
0x9e: {  	[sflag:s15] =	ssyncadd.s32 $0xFFFFF000  }
0x9f: {  	_ =	swait.ge [sflag:s15], $0x1000  }
0xa0: {  	[sflag:s15] =	ssyncset.done $0x0  }
0xa1: {  	[sflag:s15] =	ssyncadd.s32 $0xFFFFF000  }
0xa2: {  	_ =	swait.ge [sflag:s15], $0x1000  }
0xa3: {  	[sflag:s15] =	ssyncset.done $0x0  }
0xa4: {  	[sflag:s15] =	ssyncadd.s32 $0xFFFFF000  }
0xa5: {  	_ =	swait.ge [sflag:s15], $0x1000  }
0xa6: {  	[sflag:s15] =	ssyncset.done $0x0  }
0xa7: {  	[sflag:s15] =	ssyncadd.s32 $0xFFFFF000  }
0xa8: {  	v5 =	vadd.s32 s23, v4;
	_ =	swait.ge [sflag:s15], $0x1000  }
0xa9: {  	v6 =	vadd.s32 v3, v5;
	[sflag:s15] =	ssyncset.done $0x0  }
0xaa: {  	[sflag:s15] =	ssyncadd.s32 $0xFFFFF000  }
0xab: {  	_ =	swait.ge [sflag:s15], $0x1000  }
0xac: {  	[sflag:s15] =	ssyncset.done $0x0  }
0xad: {  	[sflag:s15] =	ssyncadd.s32 $0xFFFFF000  }
0xae: {  	v5 =	vor.u32 s23, v2;
	v7 =	vld.idx.msk [tilespmem:v6+s31+$0x0], $0xffff;
	_ =	sdelay $0x4  }
0xaf: {  	[tilespmem:v5+s16+$0x0] =	vst.idx.msk $0xffff, v7  }
0xb0: {  	v7 =	vld.idx.msk [tilespmem:v6+s9+$0x0], $0xffff;
	_ =	sdelay $0x4  }
0xb1: {  	[tilespmem:v5+s17+$0x0] =	vst.idx.msk $0xffff, v7  }
0xb2: {  	v7 =	vld.idx.msk [tilespmem:v6+s7+$0x0], $0xffff;
	_ =	sdelay $0x4  }
0xb3: {  	[tilespmem:v5+s18+$0x0] =	vst.idx.msk $0xffff, v7  }
0xb4: {  	v7 =	vld.idx.msk [tilespmem:v6+s1+$0x0], $0xffff;
	_ =	sdelay $0x4  }
0xb5: {  	[tilespmem:v5+s19+$0x0] =	vst.idx.msk $0xffff, v7  }
0xb6: {  	v7 =	vld.idx.msk [tilespmem:v6+s2+$0x0], $0xffff;
	_ =	sdelay $0x4  }
0xb7: {  	s23 =	simm.s32 $0x1;
	[tilespmem:v5+s20+$0x0] =	vst.idx.msk $0xffff, v7  }
0xb8: {  	s24 =	simm.s32 $0x2;
	v7 =	vadd.s32 s23, v4;
	v6 =	vld.idx.msk [tilespmem:v6+s3+$0x0], $0xffff  }
.LBB3_4:
0xb9: {  	p0 =	sne.s32 s24, $0x3F;
	v7 =	vadd.s32 v3, v7;
	_ =	sdelay $0x3  }
0xba: {  	[tilespmem:v5+s21+$0x0] =	vst.idx.msk $0xffff, v6  }
0xbb: {  	v6 =	vld.idx.msk [tilespmem:v7+s31+$0x0], $0xffff  }
0xbc: {  	v5 =	vor.u32 s23, v2;
	s23 =	smov.u32 s24;
	_ =	sdelay $0x4  }
0xbd: {  	[tilespmem:v5+s16+$0x0] =	vst.idx.msk $0xffff, v6  }
0xbe: {  	v6 =	vld.idx.msk [tilespmem:v7+s9+$0x0], $0xffff;
	_ =	sdelay $0x5  }
0xbf: {  	[tilespmem:v5+s17+$0x0] =	vst.idx.msk $0xffff, v6  }
0xc0: {  	v6 =	vld.idx.msk [tilespmem:v7+s7+$0x0], $0xffff;
	_ =	sdelay $0x5  }
0xc1: {  	[tilespmem:v5+s18+$0x0] =	vst.idx.msk $0xffff, v6  }
0xc2: {  	v6 =	vld.idx.msk [tilespmem:v7+s1+$0x0], $0xffff;
	_ =	sdelay $0x5  }
0xc3: {  	[tilespmem:v5+s19+$0x0] =	vst.idx.msk $0xffff, v6  }
0xc4: {  	v6 =	vld.idx.msk [tilespmem:v7+s2+$0x0], $0xffff;
	_ =	sdelay $0x3  }
.Ltmp1:
0xc5: {  	(pc) =	sbr.rel @p0 .LBB3_4-.Ltmp1, $4  }
0xc6: {  	_ = 	snop  }
0xc7: {  	[tilespmem:v5+s20+$0x0] =	vst.idx.msk $0xffff, v6  }
0xc8: {  	v6 =	vld.idx.msk [tilespmem:v7+s3+$0x0], $0xffff  }
0xc9: {  	s24 =	sadd.s32 $0x1, s24;
	v7 =	vadd.s32 s23, v4  }
0xca: {  	v4 =	vadd.s32 v3, v7;
	_ =	sdelay $0x3  }
0xcb: {  	[tilespmem:v5+s21+$0x0] =	vst.idx.msk $0xffff, v6  }
0xcc: {  	v63 =	vor.u32 s23, v2;
	v5 =	vld.idx.msk [tilespmem:v4+s31+$0x0], $0xffff;
	_ =	sdelay $0x4  }
0xcd: {  	[tilespmem:v63+s16+$0x0] =	vst.idx.msk $0xffff, v5  }
0xce: {  	v5 =	vld.idx.msk [tilespmem:v4+s9+$0x0], $0xffff;
	_ =	sdelay $0x4  }
0xcf: {  	[tilespmem:v63+s17+$0x0] =	vst.idx.msk $0xffff, v5  }
0xd0: {  	v5 =	vld.idx.msk [tilespmem:v4+s7+$0x0], $0xffff;
	_ =	sdelay $0x4  }
0xd1: {  	[tilespmem:v63+s18+$0x0] =	vst.idx.msk $0xffff, v5  }
0xd2: {  	v5 =	vld.idx.msk [tilespmem:v4+s1+$0x0], $0xffff;
	_ =	sdelay $0x4  }
0xd3: {  	[tilespmem:v63+s19+$0x0] =	vst.idx.msk $0xffff, v5  }
0xd4: {  	v5 =	vld.idx.msk [tilespmem:v4+s2+$0x0], $0xffff;
	_ =	sdelay $0x4  }
0xd5: {  	[tilespmem:v63+s20+$0x0] =	vst.idx.msk $0xffff, v5  }
0xd6: {  	v4 =	vld.idx.msk [tilespmem:v4+s3+$0x0], $0xffff;
	_ =	sdelay $0x4  }
0xd7: {  	s24 =	rddreg [dreg:$0x16];
	[tilespmem:v63+s21+$0x0] =	vst.idx.msk $0xffff, v4  }
0xd8: {  	[hbm4b:s24+s8] =	stream.linear.scatter [tilespmem:s16], [sflag:$0x6], $0x400, $0x38;
	[tilespmem:$0xFC40] =	vst v63  }
0xd9: {  	_ =	swait.ge [sflag:s28], $0x400  }
0xda: {  	[sflag:s28] =	ssyncset.done $0x0  }
0xdb: {  	s24 =	rddreg [dreg:$0x17];
	[sflag:s28] =	ssyncadd.s32 $0xFFFFFC00  }
0xdc: {  	[hbm4b:s24+s8] =	stream.linear.scatter [tilespmem:s17], [sflag:$0x6], $0x400, $0x38;
	[tilespmem:$0xFC40] =	vst v63  }
0xdd: {  	_ =	swait.ge [sflag:s28], $0x400  }
0xde: {  	[sflag:s28] =	ssyncset.done $0x0  }
0xdf: {  	s24 =	rddreg [dreg:$0x18];
	[sflag:s28] =	ssyncadd.s32 $0xFFFFFC00  }
0xe0: {  	[hbm4b:s24+s8] =	stream.linear.scatter [tilespmem:s18], [sflag:$0x6], $0x400, $0x38;
	[tilespmem:$0xFC40] =	vst v63  }
0xe1: {  	_ =	swait.ge [sflag:s28], $0x400  }
0xe2: {  	[sflag:s28] =	ssyncset.done $0x0  }
0xe3: {  	s24 =	rddreg [dreg:$0x19];
	[sflag:s28] =	ssyncadd.s32 $0xFFFFFC00  }
0xe4: {  	[hbm4b:s24+s8] =	stream.linear.scatter [tilespmem:s19], [sflag:$0x6], $0x400, $0x38;
	[tilespmem:$0xFC40] =	vst v63  }
0xe5: {  	_ =	swait.ge [sflag:s28], $0x400  }
0xe6: {  	[sflag:s28] =	ssyncset.done $0x0  }
0xe7: {  	s24 =	rddreg [dreg:$0x1a];
	[sflag:s28] =	ssyncadd.s32 $0xFFFFFC00  }
0xe8: {  	[hbm4b:s24+s8] =	stream.linear.scatter [tilespmem:s20], [sflag:$0x6], $0x400, $0x38;
	[tilespmem:$0xFC40] =	vst v63  }
0xe9: {  	s22 =	sadd.s32 $0x1, s22;
	_ =	swait.ge [sflag:s28], $0x400  }
0xea: {  	p0 =	sne.s32 s22, s25;
	[sflag:s28] =	ssyncset.done $0x0  }
.Ltmp2:
0xeb: {  	s24 =	rddreg [dreg:$0x1b];
	[sflag:s28] =	ssyncadd.s32 $0xFFFFFC00;
	(pc) =	sbr.rel @p0 .LBB3_1-.Ltmp2, $4  }
0xec: {  	[hbm4b:s24+s8] =	stream.linear.scatter [tilespmem:s21], [sflag:$0x6], $0x400, $0x38;
	[tilespmem:$0xFC40] =	vst v63  }
0xed: {  	_ =	swait.ge [sflag:s28], $0x400  }
0xee: {  	[sflag:s28] =	ssyncset.done $0x0  }
0xef: {  	[sflag:s28] =	ssyncadd.s32 $0xFFFFFC00  }
0xf0: {  	_ =	sfence.sel $0x180000  }
0xf1: {  	[bflag:$0x0] =	sbarrier.arrive $0xFFFF  }
0xf2: {  	_ =	strace $0x90000047  }
0xf3: {  	s0 =	stileid.u32;
	[bflag:$0x2] =	sbarrier.arrive $0xFFFF  }
0xf4: {  	p0 =	sne.s32 s0, $0x0;
	s0 =	rddreg [dreg:$0xe]  }
0xf5: {  	s0 =	sadd.s32 @!p0 $0x100000, s0  }
0xf6: {  	[sflag:s0] =	ssyncadd.tile.s32 @!p0 $0x1;
	_ =	shalt  }
.Lfunc_end3:
_tile_overlayer_lowered:
.L_overlay_start_3:
0xf7: {  	(tag) =	ssettag $0x3  }
0xf8: {  	s0 =	rddreg [dreg:$0x0];
	s2 =	stileid.u32  }
0xf9: {  	s1 =	rddreg [dreg:$0x1];
	p0 =	sne.s32 s2, $0x0  }
0xfa: {  	s3 =	rddreg [dreg:$0x2];
	[bflag:$0x3] =	sbarrier.arrive $0xFFFF;
	s2 =	simm.s32 @!p0 $0x1C06  }
0xfb: {  	[timem:s3], [sflag:s2] =	dma.local @!p0 [hbm:s0], s1  }
0xfc: {  	s0 =	simm.s32 @!p0 $0x6  }
0xfd: {  	_ =	swait.ge @!p0 [sflag:s0], s1  }
0xfe: {  	s1 =	ssub.s32 @!p0 $0x0, s1;
	[sflag:s0] =	ssyncset.done @!p0 $0x0  }
0xff: {  	[sflag:s0] =	ssyncadd.s32 @!p0 s1  }
0x100: {  	[bflag:$0x3] =	sbarrier.arrive $0xFFFF  }
0x101: {  	_ =	shalt  }

</sc_bundles>
